<compile_context>
chip_gen: v7x
topology: tpu7x:2x2x1
jax: 0.10.2.dev20260603
libtpu: 0.0.44.dev20260713+nightly
codegen_flags: <defaults>
</compile_context>

<pallas_src>
import jax
import jax.numpy as jnp
from jax import lax
from jax.experimental import pallas as pl
from jax.experimental.pallas import tpu as pltpu
from jax.experimental.pallas import tpu_sc as plsc

BATCH = 16384
EMBED_DIM = 32
SLAB = 128
NUM_CORES = 2
NUM_SUBCORES = 16
NUM_WORKERS = NUM_CORES * NUM_SUBCORES
B_PER_W = BATCH // NUM_WORKERS
LANES = 16
GROUPS = B_PER_W // LANES
NBUF = 8


def _body(user_ids_hbm, item_ids_hbm, user_t_hbm, item_t_hbm, out_hbm,
          uid_v, iid_v, stage_v, out_v,
          ubuf0, ubuf1, ubuf2, ubuf3, ubuf4, ubuf5, ubuf6, ubuf7,
          vbuf0, vbuf1, vbuf2, vbuf3, vbuf4, vbuf5, vbuf6, vbuf7,
          usem0, usem1, usem2, usem3, usem4, usem5, usem6, usem7,
          vsem0, vsem1, vsem2, vsem3, vsem4, vsem5, vsem6, vsem7):
    wid = lax.axis_index("s") * NUM_CORES + lax.axis_index("c")
    base = wid * B_PER_W

    pltpu.sync_copy(user_ids_hbm.at[pl.ds(base, B_PER_W)], uid_v)
    pltpu.sync_copy(item_ids_hbm.at[pl.ds(base, B_PER_W)], iid_v)

    ubufs = [ubuf0, ubuf1, ubuf2, ubuf3, ubuf4, ubuf5, ubuf6, ubuf7]
    vbufs = [vbuf0, vbuf1, vbuf2, vbuf3, vbuf4, vbuf5, vbuf6, vbuf7]
    usems = [usem0, usem1, usem2, usem3, usem4, usem5, usem6, usem7]
    vsems = [vsem0, vsem1, vsem2, vsem3, vsem4, vsem5, vsem6, vsem7]

    lane = lax.iota(jnp.int32, LANES)

    def fire(slot, r_u, r_v):
        ju = pl.multiple_of((r_u >> 7) * SLAB, SLAB)
        jv = pl.multiple_of((r_v >> 7) * SLAB, SLAB)
        pltpu.make_async_copy(
            user_t_hbm.at[:, pl.ds(ju, SLAB)], ubufs[slot],
            usems[slot]).start()
        pltpu.make_async_copy(
            item_t_hbm.at[:, pl.ds(jv, SLAB)], vbufs[slot],
            vsems[slot]).start()

    def waitbuf(slot):
        pltpu.make_async_copy(
            user_t_hbm.at[:, pl.ds(0, SLAB)], ubufs[slot],
            usems[slot]).wait()
        pltpu.make_async_copy(
            item_t_hbm.at[:, pl.ds(0, SLAB)], vbufs[slot],
            vsems[slot]).wait()

    u16p = uid_v[pl.ds(0, LANES)]
    v16p = iid_v[pl.ds(0, LANES)]
    for j in range(NBUF):
        fire(j, u16p[j], v16p[j])

    def group(g, carry):
        g0 = g * LANES
        u16 = uid_v[pl.ds(g0, LANES)]
        v16 = iid_v[pl.ds(g0, LANES)]
        gn0 = jnp.minimum(g + 1, GROUPS - 1) * LANES
        u16n = uid_v[pl.ds(gn0, LANES)]
        v16n = iid_v[pl.ds(gn0, LANES)]
        for j in range(LANES):
            slot = j % NBUF
            jf = j + NBUF
            waitbuf(slot)
            cu = u16[j] & (SLAB - 1)
            cv = v16[j] & (SLAB - 1)
            cu_v = jnp.full((LANES,), cu, jnp.int32)
            cv_v = jnp.full((LANES,), cv, jnp.int32)
            ua = plsc.load_gather(ubufs[slot], [lane, cu_v])
            ub = plsc.load_gather(ubufs[slot], [lane + LANES, cu_v])
            va = plsc.load_gather(vbufs[slot], [lane, cv_v])
            vb = plsc.load_gather(vbufs[slot], [lane + LANES, cv_v])

            if jf < LANES:
                fire(slot, u16[jf], v16[jf])
            else:
                @pl.when(g + 1 < GROUPS)
                def _():
                    fire(slot, u16n[jf - LANES], v16n[jf - LANES])

            stage_v[pl.ds(j * LANES, LANES)] = ua * va + ub * vb

        acc = jnp.zeros((LANES,), jnp.float32)
        for l in range(LANES):
            acc = acc + plsc.load_gather(
                stage_v, [lane * LANES + l])
        out_v[pl.ds(g0, LANES)] = acc
        return carry

    lax.fori_loop(0, GROUPS, group, 0)

    pltpu.sync_copy(out_v, out_hbm.at[pl.ds(base, B_PER_W)])


@jax.jit
def kernel(user_ids, item_ids, user_table, item_table):
    mesh = plsc.VectorSubcoreMesh(core_axis_name="c", subcore_axis_name="s")
    f = pl.kernel(
        _body,
        mesh=mesh,
        compiler_params=pltpu.CompilerParams(needs_layout_passes=False),
        out_type=jax.ShapeDtypeStruct((BATCH,), jnp.float32),
        scratch_types=(
            [pltpu.VMEM((B_PER_W,), jnp.int32),
             pltpu.VMEM((B_PER_W,), jnp.int32),
             pltpu.VMEM((LANES * LANES,), jnp.float32),
             pltpu.VMEM((B_PER_W,), jnp.float32)]
            + [pltpu.VMEM((EMBED_DIM, SLAB), jnp.float32)] * (2 * NBUF)
            + [pltpu.SemaphoreType.DMA] * (2 * NBUF)
        ),
    )
    return f(user_ids.astype(jnp.int32), item_ids.astype(jnp.int32),
             user_table.T, item_table.T)

# --- scband reference (transcript-rebuilt; emitter-appended) ---
"""Pipeline reference for scband-matrix-factorization-85976655331879 (READ-ONLY COPY).

The authoritative reference and input builder live on the scoring server;
editing this copy changes nothing except your own understanding.
"""

import jax, jax.numpy as jnp
import numpy as np

NUM_USERS = 1000000
NUM_ITEMS = 1000000
EMBED_DIM = 32
BATCH = 16384

def setup_inputs(seed: int = 0) -> dict:
    key = jax.random.key(seed)
    k1, k2, k3, k4 = jax.random.split(key, 4)
    user_ids = jax.random.randint(k1, (BATCH,), 0, NUM_USERS, dtype=jnp.int64 if jax.config.jax_enable_x64 else jnp.int32)
    item_ids = jax.random.randint(k2, (BATCH,), 0, NUM_ITEMS, dtype=jnp.int64 if jax.config.jax_enable_x64 else jnp.int32)
    # kaiming_normal_ with default fan_in mode on [num_embeddings, embedding_dim]:
    # std = sqrt(2 / fan_in), fan_in = embedding_dim
    std = float(np.sqrt(2.0 / EMBED_DIM))
    user_table = jax.random.normal(k3, (NUM_USERS, EMBED_DIM), dtype=jnp.float32) * std
    item_table = jax.random.normal(k4, (NUM_ITEMS, EMBED_DIM), dtype=jnp.float32) * std
    return {"user_ids": user_ids, "item_ids": item_ids, "user_table": user_table, "item_table": item_table}

def reference(user_ids, item_ids, user_table, item_table):
    user_emb = jnp.take(user_table, user_ids, axis=0)
    item_emb = jnp.take(item_table, item_ids, axis=0)
    return (user_emb * item_emb).sum(axis=1)

if __name__ == "__main__":
    import jax
    _d = setup_inputs()
    print(jax.jit(kernel)(*tuple(_d.values())))

</pallas_src>

<mosaic_0001>
#map = affine_map<(d0, d1) -> (0)>
#map1 = affine_map<(d0, d1) -> (0, 0)>
module attributes {stable_mosaic.version = 14 : i64} {
  func.func @_body(%arg0: i32, %arg1: i32, %arg2: memref<16384xi32, #tpu.memory_space<hbm>>, %arg3: memref<16384xi32, #tpu.memory_space<hbm>>, %arg4: memref<32x1000000xf32, #tpu.memory_space<hbm>>, %arg5: memref<32x1000000xf32, #tpu.memory_space<hbm>>, %arg6: memref<16384xf32, #tpu.memory_space<hbm>>, %arg7: memref<512xi32, #tpu.memory_space<vmem>>, %arg8: memref<512xi32, #tpu.memory_space<vmem>>, %arg9: memref<256xf32, #tpu.memory_space<vmem>>, %arg10: memref<512xf32, #tpu.memory_space<vmem>>, %arg11: memref<32x128xf32, #tpu.memory_space<vmem>>, %arg12: memref<32x128xf32, #tpu.memory_space<vmem>>, %arg13: memref<32x128xf32, #tpu.memory_space<vmem>>, %arg14: memref<32x128xf32, #tpu.memory_space<vmem>>, %arg15: memref<32x128xf32, #tpu.memory_space<vmem>>, %arg16: memref<32x128xf32, #tpu.memory_space<vmem>>, %arg17: memref<32x128xf32, #tpu.memory_space<vmem>>, %arg18: memref<32x128xf32, #tpu.memory_space<vmem>>, %arg19: memref<32x128xf32, #tpu.memory_space<vmem>>, %arg20: memref<32x128xf32, #tpu.memory_space<vmem>>, %arg21: memref<32x128xf32, #tpu.memory_space<vmem>>, %arg22: memref<32x128xf32, #tpu.memory_space<vmem>>, %arg23: memref<32x128xf32, #tpu.memory_space<vmem>>, %arg24: memref<32x128xf32, #tpu.memory_space<vmem>>, %arg25: memref<32x128xf32, #tpu.memory_space<vmem>>, %arg26: memref<32x128xf32, #tpu.memory_space<vmem>>, %arg27: memref<!tpu.dma_semaphore, #tpu.memory_space<semaphore_mem>>, %arg28: memref<!tpu.dma_semaphore, #tpu.memory_space<semaphore_mem>>, %arg29: memref<!tpu.dma_semaphore, #tpu.memory_space<semaphore_mem>>, %arg30: memref<!tpu.dma_semaphore, #tpu.memory_space<semaphore_mem>>, %arg31: memref<!tpu.dma_semaphore, #tpu.memory_space<semaphore_mem>>, %arg32: memref<!tpu.dma_semaphore, #tpu.memory_space<semaphore_mem>>, %arg33: memref<!tpu.dma_semaphore, #tpu.memory_space<semaphore_mem>>, %arg34: memref<!tpu.dma_semaphore, #tpu.memory_space<semaphore_mem>>, %arg35: memref<!tpu.dma_semaphore, #tpu.memory_space<semaphore_mem>>, %arg36: memref<!tpu.dma_semaphore, #tpu.memory_space<semaphore_mem>>, %arg37: memref<!tpu.dma_semaphore, #tpu.memory_space<semaphore_mem>>, %arg38: memref<!tpu.dma_semaphore, #tpu.memory_space<semaphore_mem>>, %arg39: memref<!tpu.dma_semaphore, #tpu.memory_space<semaphore_mem>>, %arg40: memref<!tpu.dma_semaphore, #tpu.memory_space<semaphore_mem>>, %arg41: memref<!tpu.dma_semaphore, #tpu.memory_space<semaphore_mem>>, %arg42: memref<!tpu.dma_semaphore, #tpu.memory_space<semaphore_mem>>) attributes {dimension_semantics = [#tpu.dimension_semantics<core_parallel>, #tpu.dimension_semantics<subcore_parallel>], iteration_bounds = array<i64: 2, 16>, scalar_prefetch = 0 : i64, scratch_operands = 36 : i64, tpu.core_type = #tpu.core_type<sc_vector_subcore>, window_params = [{transform_indices = #map}, {transform_indices = #map}, {transform_indices = #map1}, {transform_indices = #map1}, {transform_indices = #map}]} {
    %mul3A = arith.constant 2 : i32
    %mul3A_0 = arith.muli %arg1, %mul3A : i32
    %add3A = arith.addi %mul3A_0, %arg0 : i32
    %mul3A_1 = arith.constant 512 : i32
    %mul3A_2 = arith.muli %add3A, %mul3A_1 : i32
    "tpu.region"() ({
      %run_scoped3A = tpu.sem_alloc : memref<!tpu.dma_semaphore, #tpu.memory_space<semaphore_mem>>
      %dma_start3A_182 = tpu.memref_slice %arg2[%mul3A_2] : memref<16384xi32, #tpu.memory_space<hbm>> -> memref<512xi32, #tpu.memory_space<hbm>>
      %dma_start3A_183 = tpu.memref_slice %arg2[%mul3A_2] : memref<16384xi32, #tpu.memory_space<hbm>> -> memref<512xi32, #tpu.memory_space<hbm>>
      tpu.enqueue_dma source(%dma_start3A_183 : memref<512xi32, #tpu.memory_space<hbm>>) target(%arg7 : memref<512xi32, #tpu.memory_space<vmem>>) target_semaphore(%run_scoped3A : memref<!tpu.dma_semaphore, #tpu.memory_space<semaphore_mem>>)
      %dma_wait3A = tpu.memref_slice %arg2[%mul3A_2] : memref<16384xi32, #tpu.memory_space<hbm>> -> memref<512xi32, #tpu.memory_space<hbm>>
      %dma_wait3A_184 = tpu.memref_slice %arg2[%mul3A_2] : memref<16384xi32, #tpu.memory_space<hbm>> -> memref<512xi32, #tpu.memory_space<hbm>>
      tpu.wait_dma2 semaphore(%run_scoped3A : memref<!tpu.dma_semaphore, #tpu.memory_space<semaphore_mem>>) src(%dma_wait3A_184 : memref<512xi32, #tpu.memory_space<hbm>>) dst(%arg7 : memref<512xi32, #tpu.memory_space<vmem>>)
      tpu.yield
    }) : () -> ()
    "tpu.region"() ({
      %run_scoped3A = tpu.sem_alloc : memref<!tpu.dma_semaphore, #tpu.memory_space<semaphore_mem>>
      %dma_start3A_182 = tpu.memref_slice %arg3[%mul3A_2] : memref<16384xi32, #tpu.memory_space<hbm>> -> memref<512xi32, #tpu.memory_space<hbm>>
      %dma_start3A_183 = tpu.memref_slice %arg3[%mul3A_2] : memref<16384xi32, #tpu.memory_space<hbm>> -> memref<512xi32, #tpu.memory_space<hbm>>
      tpu.enqueue_dma source(%dma_start3A_183 : memref<512xi32, #tpu.memory_space<hbm>>) target(%arg8 : memref<512xi32, #tpu.memory_space<vmem>>) target_semaphore(%run_scoped3A : memref<!tpu.dma_semaphore, #tpu.memory_space<semaphore_mem>>)
      %dma_wait3A = tpu.memref_slice %arg3[%mul3A_2] : memref<16384xi32, #tpu.memory_space<hbm>> -> memref<512xi32, #tpu.memory_space<hbm>>
      %dma_wait3A_184 = tpu.memref_slice %arg3[%mul3A_2] : memref<16384xi32, #tpu.memory_space<hbm>> -> memref<512xi32, #tpu.memory_space<hbm>>
      tpu.wait_dma2 semaphore(%run_scoped3A : memref<!tpu.dma_semaphore, #tpu.memory_space<semaphore_mem>>) src(%dma_wait3A_184 : memref<512xi32, #tpu.memory_space<hbm>>) dst(%arg8 : memref<512xi32, #tpu.memory_space<vmem>>)
      tpu.yield
    }) : () -> ()
    %iota3A = tpu.iota {dimensions = array<i32: 0>} : vector<16xi32>
    %get3A = arith.constant 0 : index
    %get3A_3 = tpu.vector_load %arg7[%get3A] {strides = array<i32>} : memref<512xi32, #tpu.memory_space<vmem>>, vector<16xi32>,
    %get3A_4 = arith.constant 0 : index
    %get3A_5 = tpu.vector_load %arg8[%get3A_4] {strides = array<i32>} : memref<512xi32, #tpu.memory_space<vmem>>, vector<16xi32>,
    %slice3A = vector.extract_strided_slice %get3A_3 {offsets = [0], sizes = [1], strides = [1]} : vector<16xi32> to vector<1xi32>
    %squeeze3A = vector.extract %slice3A[0] : i32 from vector<1xi32>
    %slice3A_6 = vector.extract_strided_slice %get3A_5 {offsets = [0], sizes = [1], strides = [1]} : vector<16xi32> to vector<1xi32>
    %squeeze3A_7 = vector.extract %slice3A_6[0] : i32 from vector<1xi32>
    %shift_right_arithmetic3A = arith.constant 7 : i32
    %shift_right_arithmetic3A_8 = arith.shrsi %squeeze3A, %shift_right_arithmetic3A : i32
    %mul3A_9 = arith.constant 128 : i32
    %mul3A_10 = arith.muli %shift_right_arithmetic3A_8, %mul3A_9 : i32
    %multiple_of3A = tpu.assume_multiple %mul3A_10, 128 : i32
    %shift_right_arithmetic3A_11 = arith.constant 7 : i32
    %shift_right_arithmetic3A_12 = arith.shrsi %squeeze3A_7, %shift_right_arithmetic3A_11 : i32
    %mul3A_13 = arith.constant 128 : i32
    %mul3A_14 = arith.muli %shift_right_arithmetic3A_12, %mul3A_13 : i32
    %multiple_of3A_15 = tpu.assume_multiple %mul3A_14, 128 : i32
    %dma_start3A = arith.constant 0 : i32
    %dma_start3A_16 = tpu.memref_slice %arg4[%dma_start3A, %multiple_of3A] : memref<32x1000000xf32, #tpu.memory_space<hbm>> -> memref<32x128xf32, #tpu.memory_space<hbm>>
    %dma_start3A_17 = arith.constant 0 : i32
    %dma_start3A_18 = tpu.memref_slice %arg4[%dma_start3A_17, %multiple_of3A] : memref<32x1000000xf32, #tpu.memory_space<hbm>> -> memref<32x128xf32, #tpu.memory_space<hbm>>
    tpu.enqueue_dma source(%dma_start3A_18 : memref<32x128xf32, #tpu.memory_space<hbm>>) target(%arg11 : memref<32x128xf32, #tpu.memory_space<vmem>>) target_semaphore(%arg27 : memref<!tpu.dma_semaphore, #tpu.memory_space<semaphore_mem>>)
    %dma_start3A_19 = arith.constant 0 : i32
    %dma_start3A_20 = tpu.memref_slice %arg5[%dma_start3A_19, %multiple_of3A_15] : memref<32x1000000xf32, #tpu.memory_space<hbm>> -> memref<32x128xf32, #tpu.memory_space<hbm>>
    %dma_start3A_21 = arith.constant 0 : i32
    %dma_start3A_22 = tpu.memref_slice %arg5[%dma_start3A_21, %multiple_of3A_15] : memref<32x1000000xf32, #tpu.memory_space<hbm>> -> memref<32x128xf32, #tpu.memory_space<hbm>>
    tpu.enqueue_dma source(%dma_start3A_22 : memref<32x128xf32, #tpu.memory_space<hbm>>) target(%arg19 : memref<32x128xf32, #tpu.memory_space<vmem>>) target_semaphore(%arg35 : memref<!tpu.dma_semaphore, #tpu.memory_space<semaphore_mem>>)
    %slice3A_23 = vector.extract_strided_slice %get3A_3 {offsets = [1], sizes = [1], strides = [1]} : vector<16xi32> to vector<1xi32>
    %squeeze3A_24 = vector.extract %slice3A_23[0] : i32 from vector<1xi32>
    %slice3A_25 = vector.extract_strided_slice %get3A_5 {offsets = [1], sizes = [1], strides = [1]} : vector<16xi32> to vector<1xi32>
    %squeeze3A_26 = vector.extract %slice3A_25[0] : i32 from vector<1xi32>
    %shift_right_arithmetic3A_27 = arith.constant 7 : i32
    %shift_right_arithmetic3A_28 = arith.shrsi %squeeze3A_24, %shift_right_arithmetic3A_27 : i32
    %mul3A_29 = arith.constant 128 : i32
    %mul3A_30 = arith.muli %shift_right_arithmetic3A_28, %mul3A_29 : i32
    %multiple_of3A_31 = tpu.assume_multiple %mul3A_30, 128 : i32
    %shift_right_arithmetic3A_32 = arith.constant 7 : i32
    %shift_right_arithmetic3A_33 = arith.shrsi %squeeze3A_26, %shift_right_arithmetic3A_32 : i32
    %mul3A_34 = arith.constant 128 : i32
    %mul3A_35 = arith.muli %shift_right_arithmetic3A_33, %mul3A_34 : i32
    %multiple_of3A_36 = tpu.assume_multiple %mul3A_35, 128 : i32
    %dma_start3A_37 = arith.constant 0 : i32
    %dma_start3A_38 = tpu.memref_slice %arg4[%dma_start3A_37, %multiple_of3A_31] : memref<32x1000000xf32, #tpu.memory_space<hbm>> -> memref<32x128xf32, #tpu.memory_space<hbm>>
    %dma_start3A_39 = arith.constant 0 : i32
    %dma_start3A_40 = tpu.memref_slice %arg4[%dma_start3A_39, %multiple_of3A_31] : memref<32x1000000xf32, #tpu.memory_space<hbm>> -> memref<32x128xf32, #tpu.memory_space<hbm>>
    tpu.enqueue_dma source(%dma_start3A_40 : memref<32x128xf32, #tpu.memory_space<hbm>>) target(%arg12 : memref<32x128xf32, #tpu.memory_space<vmem>>) target_semaphore(%arg28 : memref<!tpu.dma_semaphore, #tpu.memory_space<semaphore_mem>>)
    %dma_start3A_41 = arith.constant 0 : i32
    %dma_start3A_42 = tpu.memref_slice %arg5[%dma_start3A_41, %multiple_of3A_36] : memref<32x1000000xf32, #tpu.memory_space<hbm>> -> memref<32x128xf32, #tpu.memory_space<hbm>>
    %dma_start3A_43 = arith.constant 0 : i32
    %dma_start3A_44 = tpu.memref_slice %arg5[%dma_start3A_43, %multiple_of3A_36] : memref<32x1000000xf32, #tpu.memory_space<hbm>> -> memref<32x128xf32, #tpu.memory_space<hbm>>
    tpu.enqueue_dma source(%dma_start3A_44 : memref<32x128xf32, #tpu.memory_space<hbm>>) target(%arg20 : memref<32x128xf32, #tpu.memory_space<vmem>>) target_semaphore(%arg36 : memref<!tpu.dma_semaphore, #tpu.memory_space<semaphore_mem>>)
    %slice3A_45 = vector.extract_strided_slice %get3A_3 {offsets = [2], sizes = [1], strides = [1]} : vector<16xi32> to vector<1xi32>
    %squeeze3A_46 = vector.extract %slice3A_45[0] : i32 from vector<1xi32>
    %slice3A_47 = vector.extract_strided_slice %get3A_5 {offsets = [2], sizes = [1], strides = [1]} : vector<16xi32> to vector<1xi32>
    %squeeze3A_48 = vector.extract %slice3A_47[0] : i32 from vector<1xi32>
    %shift_right_arithmetic3A_49 = arith.constant 7 : i32
    %shift_right_arithmetic3A_50 = arith.shrsi %squeeze3A_46, %shift_right_arithmetic3A_49 : i32
    %mul3A_51 = arith.constant 128 : i32
    %mul3A_52 = arith.muli %shift_right_arithmetic3A_50, %mul3A_51 : i32
    %multiple_of3A_53 = tpu.assume_multiple %mul3A_52, 128 : i32
    %shift_right_arithmetic3A_54 = arith.constant 7 : i32
    %shift_right_arithmetic3A_55 = arith.shrsi %squeeze3A_48, %shift_right_arithmetic3A_54 : i32
    %mul3A_56 = arith.constant 128 : i32
    %mul3A_57 = arith.muli %shift_right_arithmetic3A_55, %mul3A_56 : i32
    %multiple_of3A_58 = tpu.assume_multiple %mul3A_57, 128 : i32
    %dma_start3A_59 = arith.constant 0 : i32
    %dma_start3A_60 = tpu.memref_slice %arg4[%dma_start3A_59, %multiple_of3A_53] : memref<32x1000000xf32, #tpu.memory_space<hbm>> -> memref<32x128xf32, #tpu.memory_space<hbm>>
    %dma_start3A_61 = arith.constant 0 : i32
    %dma_start3A_62 = tpu.memref_slice %arg4[%dma_start3A_61, %multiple_of3A_53] : memref<32x1000000xf32, #tpu.memory_space<hbm>> -> memref<32x128xf32, #tpu.memory_space<hbm>>
    tpu.enqueue_dma source(%dma_start3A_62 : memref<32x128xf32, #tpu.memory_space<hbm>>) target(%arg13 : memref<32x128xf32, #tpu.memory_space<vmem>>) target_semaphore(%arg29 : memref<!tpu.dma_semaphore, #tpu.memory_space<semaphore_mem>>)
    %dma_start3A_63 = arith.constant 0 : i32
    %dma_start3A_64 = tpu.memref_slice %arg5[%dma_start3A_63, %multiple_of3A_58] : memref<32x1000000xf32, #tpu.memory_space<hbm>> -> memref<32x128xf32, #tpu.memory_space<hbm>>
    %dma_start3A_65 = arith.constant 0 : i32
    %dma_start3A_66 = tpu.memref_slice %arg5[%dma_start3A_65, %multiple_of3A_58] : memref<32x1000000xf32, #tpu.memory_space<hbm>> -> memref<32x128xf32, #tpu.memory_space<hbm>>
    tpu.enqueue_dma source(%dma_start3A_66 : memref<32x128xf32, #tpu.memory_space<hbm>>) target(%arg21 : memref<32x128xf32, #tpu.memory_space<vmem>>) target_semaphore(%arg37 : memref<!tpu.dma_semaphore, #tpu.memory_space<semaphore_mem>>)
    %slice3A_67 = vector.extract_strided_slice %get3A_3 {offsets = [3], sizes = [1], strides = [1]} : vector<16xi32> to vector<1xi32>
    %squeeze3A_68 = vector.extract %slice3A_67[0] : i32 from vector<1xi32>
    %slice3A_69 = vector.extract_strided_slice %get3A_5 {offsets = [3], sizes = [1], strides = [1]} : vector<16xi32> to vector<1xi32>
    %squeeze3A_70 = vector.extract %slice3A_69[0] : i32 from vector<1xi32>
    %shift_right_arithmetic3A_71 = arith.constant 7 : i32
    %shift_right_arithmetic3A_72 = arith.shrsi %squeeze3A_68, %shift_right_arithmetic3A_71 : i32
    %mul3A_73 = arith.constant 128 : i32
    %mul3A_74 = arith.muli %shift_right_arithmetic3A_72, %mul3A_73 : i32
    %multiple_of3A_75 = tpu.assume_multiple %mul3A_74, 128 : i32
    %shift_right_arithmetic3A_76 = arith.constant 7 : i32
    %shift_right_arithmetic3A_77 = arith.shrsi %squeeze3A_70, %shift_right_arithmetic3A_76 : i32
    %mul3A_78 = arith.constant 128 : i32
    %mul3A_79 = arith.muli %shift_right_arithmetic3A_77, %mul3A_78 : i32
    %multiple_of3A_80 = tpu.assume_multiple %mul3A_79, 128 : i32
    %dma_start3A_81 = arith.constant 0 : i32
    %dma_start3A_82 = tpu.memref_slice %arg4[%dma_start3A_81, %multiple_of3A_75] : memref<32x1000000xf32, #tpu.memory_space<hbm>> -> memref<32x128xf32, #tpu.memory_space<hbm>>
    %dma_start3A_83 = arith.constant 0 : i32
    %dma_start3A_84 = tpu.memref_slice %arg4[%dma_start3A_83, %multiple_of3A_75] : memref<32x1000000xf32, #tpu.memory_space<hbm>> -> memref<32x128xf32, #tpu.memory_space<hbm>>
    tpu.enqueue_dma source(%dma_start3A_84 : memref<32x128xf32, #tpu.memory_space<hbm>>) target(%arg14 : memref<32x128xf32, #tpu.memory_space<vmem>>) target_semaphore(%arg30 : memref<!tpu.dma_semaphore, #tpu.memory_space<semaphore_mem>>)
    %dma_start3A_85 = arith.constant 0 : i32
    %dma_start3A_86 = tpu.memref_slice %arg5[%dma_start3A_85, %multiple_of3A_80] : memref<32x1000000xf32, #tpu.memory_space<hbm>> -> memref<32x128xf32, #tpu.memory_space<hbm>>
    %dma_start3A_87 = arith.constant 0 : i32
    %dma_start3A_88 = tpu.memref_slice %arg5[%dma_start3A_87, %multiple_of3A_80] : memref<32x1000000xf32, #tpu.memory_space<hbm>> -> memref<32x128xf32, #tpu.memory_space<hbm>>
    tpu.enqueue_dma source(%dma_start3A_88 : memref<32x128xf32, #tpu.memory_space<hbm>>) target(%arg22 : memref<32x128xf32, #tpu.memory_space<vmem>>) target_semaphore(%arg38 : memref<!tpu.dma_semaphore, #tpu.memory_space<semaphore_mem>>)
    %slice3A_89 = vector.extract_strided_slice %get3A_3 {offsets = [4], sizes = [1], strides = [1]} : vector<16xi32> to vector<1xi32>
    %squeeze3A_90 = vector.extract %slice3A_89[0] : i32 from vector<1xi32>
    %slice3A_91 = vector.extract_strided_slice %get3A_5 {offsets = [4], sizes = [1], strides = [1]} : vector<16xi32> to vector<1xi32>
    %squeeze3A_92 = vector.extract %slice3A_91[0] : i32 from vector<1xi32>
    %shift_right_arithmetic3A_93 = arith.constant 7 : i32
    %shift_right_arithmetic3A_94 = arith.shrsi %squeeze3A_90, %shift_right_arithmetic3A_93 : i32
    %mul3A_95 = arith.constant 128 : i32
    %mul3A_96 = arith.muli %shift_right_arithmetic3A_94, %mul3A_95 : i32
    %multiple_of3A_97 = tpu.assume_multiple %mul3A_96, 128 : i32
    %shift_right_arithmetic3A_98 = arith.constant 7 : i32
    %shift_right_arithmetic3A_99 = arith.shrsi %squeeze3A_92, %shift_right_arithmetic3A_98 : i32
    %mul3A_100 = arith.constant 128 : i32
    %mul3A_101 = arith.muli %shift_right_arithmetic3A_99, %mul3A_100 : i32
    %multiple_of3A_102 = tpu.assume_multiple %mul3A_101, 128 : i32
    %dma_start3A_103 = arith.constant 0 : i32
    %dma_start3A_104 = tpu.memref_slice %arg4[%dma_start3A_103, %multiple_of3A_97] : memref<32x1000000xf32, #tpu.memory_space<hbm>> -> memref<32x128xf32, #tpu.memory_space<hbm>>
    %dma_start3A_105 = arith.constant 0 : i32
    %dma_start3A_106 = tpu.memref_slice %arg4[%dma_start3A_105, %multiple_of3A_97] : memref<32x1000000xf32, #tpu.memory_space<hbm>> -> memref<32x128xf32, #tpu.memory_space<hbm>>
    tpu.enqueue_dma source(%dma_start3A_106 : memref<32x128xf32, #tpu.memory_space<hbm>>) target(%arg15 : memref<32x128xf32, #tpu.memory_space<vmem>>) target_semaphore(%arg31 : memref<!tpu.dma_semaphore, #tpu.memory_space<semaphore_mem>>)
    %dma_start3A_107 = arith.constant 0 : i32
    %dma_start3A_108 = tpu.memref_slice %arg5[%dma_start3A_107, %multiple_of3A_102] : memref<32x1000000xf32, #tpu.memory_space<hbm>> -> memref<32x128xf32, #tpu.memory_space<hbm>>
    %dma_start3A_109 = arith.constant 0 : i32
    %dma_start3A_110 = tpu.memref_slice %arg5[%dma_start3A_109, %multiple_of3A_102] : memref<32x1000000xf32, #tpu.memory_space<hbm>> -> memref<32x128xf32, #tpu.memory_space<hbm>>
    tpu.enqueue_dma source(%dma_start3A_110 : memref<32x128xf32, #tpu.memory_space<hbm>>) target(%arg23 : memref<32x128xf32, #tpu.memory_space<vmem>>) target_semaphore(%arg39 : memref<!tpu.dma_semaphore, #tpu.memory_space<semaphore_mem>>)
    %slice3A_111 = vector.extract_strided_slice %get3A_3 {offsets = [5], sizes = [1], strides = [1]} : vector<16xi32> to vector<1xi32>
    %squeeze3A_112 = vector.extract %slice3A_111[0] : i32 from vector<1xi32>
    %slice3A_113 = vector.extract_strided_slice %get3A_5 {offsets = [5], sizes = [1], strides = [1]} : vector<16xi32> to vector<1xi32>
    %squeeze3A_114 = vector.extract %slice3A_113[0] : i32 from vector<1xi32>
    %shift_right_arithmetic3A_115 = arith.constant 7 : i32
    %shift_right_arithmetic3A_116 = arith.shrsi %squeeze3A_112, %shift_right_arithmetic3A_115 : i32
    %mul3A_117 = arith.constant 128 : i32
    %mul3A_118 = arith.muli %shift_right_arithmetic3A_116, %mul3A_117 : i32
    %multiple_of3A_119 = tpu.assume_multiple %mul3A_118, 128 : i32
    %shift_right_arithmetic3A_120 = arith.constant 7 : i32
    %shift_right_arithmetic3A_121 = arith.shrsi %squeeze3A_114, %shift_right_arithmetic3A_120 : i32
    %mul3A_122 = arith.constant 128 : i32
    %mul3A_123 = arith.muli %shift_right_arithmetic3A_121, %mul3A_122 : i32
    %multiple_of3A_124 = tpu.assume_multiple %mul3A_123, 128 : i32
    %dma_start3A_125 = arith.constant 0 : i32
    %dma_start3A_126 = tpu.memref_slice %arg4[%dma_start3A_125, %multiple_of3A_119] : memref<32x1000000xf32, #tpu.memory_space<hbm>> -> memref<32x128xf32, #tpu.memory_space<hbm>>
    %dma_start3A_127 = arith.constant 0 : i32
    %dma_start3A_128 = tpu.memref_slice %arg4[%dma_start3A_127, %multiple_of3A_119] : memref<32x1000000xf32, #tpu.memory_space<hbm>> -> memref<32x128xf32, #tpu.memory_space<hbm>>
    tpu.enqueue_dma source(%dma_start3A_128 : memref<32x128xf32, #tpu.memory_space<hbm>>) target(%arg16 : memref<32x128xf32, #tpu.memory_space<vmem>>) target_semaphore(%arg32 : memref<!tpu.dma_semaphore, #tpu.memory_space<semaphore_mem>>)
    %dma_start3A_129 = arith.constant 0 : i32
    %dma_start3A_130 = tpu.memref_slice %arg5[%dma_start3A_129, %multiple_of3A_124] : memref<32x1000000xf32, #tpu.memory_space<hbm>> -> memref<32x128xf32, #tpu.memory_space<hbm>>
    %dma_start3A_131 = arith.constant 0 : i32
    %dma_start3A_132 = tpu.memref_slice %arg5[%dma_start3A_131, %multiple_of3A_124] : memref<32x1000000xf32, #tpu.memory_space<hbm>> -> memref<32x128xf32, #tpu.memory_space<hbm>>
    tpu.enqueue_dma source(%dma_start3A_132 : memref<32x128xf32, #tpu.memory_space<hbm>>) target(%arg24 : memref<32x128xf32, #tpu.memory_space<vmem>>) target_semaphore(%arg40 : memref<!tpu.dma_semaphore, #tpu.memory_space<semaphore_mem>>)
    %slice3A_133 = vector.extract_strided_slice %get3A_3 {offsets = [6], sizes = [1], strides = [1]} : vector<16xi32> to vector<1xi32>
    %squeeze3A_134 = vector.extract %slice3A_133[0] : i32 from vector<1xi32>
    %slice3A_135 = vector.extract_strided_slice %get3A_5 {offsets = [6], sizes = [1], strides = [1]} : vector<16xi32> to vector<1xi32>
    %squeeze3A_136 = vector.extract %slice3A_135[0] : i32 from vector<1xi32>
    %shift_right_arithmetic3A_137 = arith.constant 7 : i32
    %shift_right_arithmetic3A_138 = arith.shrsi %squeeze3A_134, %shift_right_arithmetic3A_137 : i32
    %mul3A_139 = arith.constant 128 : i32
    %mul3A_140 = arith.muli %shift_right_arithmetic3A_138, %mul3A_139 : i32
    %multiple_of3A_141 = tpu.assume_multiple %mul3A_140, 128 : i32
    %shift_right_arithmetic3A_142 = arith.constant 7 : i32
    %shift_right_arithmetic3A_143 = arith.shrsi %squeeze3A_136, %shift_right_arithmetic3A_142 : i32
    %mul3A_144 = arith.constant 128 : i32
    %mul3A_145 = arith.muli %shift_right_arithmetic3A_143, %mul3A_144 : i32
    %multiple_of3A_146 = tpu.assume_multiple %mul3A_145, 128 : i32
    %dma_start3A_147 = arith.constant 0 : i32
    %dma_start3A_148 = tpu.memref_slice %arg4[%dma_start3A_147, %multiple_of3A_141] : memref<32x1000000xf32, #tpu.memory_space<hbm>> -> memref<32x128xf32, #tpu.memory_space<hbm>>
    %dma_start3A_149 = arith.constant 0 : i32
    %dma_start3A_150 = tpu.memref_slice %arg4[%dma_start3A_149, %multiple_of3A_141] : memref<32x1000000xf32, #tpu.memory_space<hbm>> -> memref<32x128xf32, #tpu.memory_space<hbm>>
    tpu.enqueue_dma source(%dma_start3A_150 : memref<32x128xf32, #tpu.memory_space<hbm>>) target(%arg17 : memref<32x128xf32, #tpu.memory_space<vmem>>) target_semaphore(%arg33 : memref<!tpu.dma_semaphore, #tpu.memory_space<semaphore_mem>>)
    %dma_start3A_151 = arith.constant 0 : i32
    %dma_start3A_152 = tpu.memref_slice %arg5[%dma_start3A_151, %multiple_of3A_146] : memref<32x1000000xf32, #tpu.memory_space<hbm>> -> memref<32x128xf32, #tpu.memory_space<hbm>>
    %dma_start3A_153 = arith.constant 0 : i32
    %dma_start3A_154 = tpu.memref_slice %arg5[%dma_start3A_153, %multiple_of3A_146] : memref<32x1000000xf32, #tpu.memory_space<hbm>> -> memref<32x128xf32, #tpu.memory_space<hbm>>
    tpu.enqueue_dma source(%dma_start3A_154 : memref<32x128xf32, #tpu.memory_space<hbm>>) target(%arg25 : memref<32x128xf32, #tpu.memory_space<vmem>>) target_semaphore(%arg41 : memref<!tpu.dma_semaphore, #tpu.memory_space<semaphore_mem>>)
    %slice3A_155 = vector.extract_strided_slice %get3A_3 {offsets = [7], sizes = [1], strides = [1]} : vector<16xi32> to vector<1xi32>
    %squeeze3A_156 = vector.extract %slice3A_155[0] : i32 from vector<1xi32>
    %slice3A_157 = vector.extract_strided_slice %get3A_5 {offsets = [7], sizes = [1], strides = [1]} : vector<16xi32> to vector<1xi32>
    %squeeze3A_158 = vector.extract %slice3A_157[0] : i32 from vector<1xi32>
    %shift_right_arithmetic3A_159 = arith.constant 7 : i32
    %shift_right_arithmetic3A_160 = arith.shrsi %squeeze3A_156, %shift_right_arithmetic3A_159 : i32
    %mul3A_161 = arith.constant 128 : i32
    %mul3A_162 = arith.muli %shift_right_arithmetic3A_160, %mul3A_161 : i32
    %multiple_of3A_163 = tpu.assume_multiple %mul3A_162, 128 : i32
    %shift_right_arithmetic3A_164 = arith.constant 7 : i32
    %shift_right_arithmetic3A_165 = arith.shrsi %squeeze3A_158, %shift_right_arithmetic3A_164 : i32
    %mul3A_166 = arith.constant 128 : i32
    %mul3A_167 = arith.muli %shift_right_arithmetic3A_165, %mul3A_166 : i32
    %multiple_of3A_168 = tpu.assume_multiple %mul3A_167, 128 : i32
    %dma_start3A_169 = arith.constant 0 : i32
    %dma_start3A_170 = tpu.memref_slice %arg4[%dma_start3A_169, %multiple_of3A_163] : memref<32x1000000xf32, #tpu.memory_space<hbm>> -> memref<32x128xf32, #tpu.memory_space<hbm>>
    %dma_start3A_171 = arith.constant 0 : i32
    %dma_start3A_172 = tpu.memref_slice %arg4[%dma_start3A_171, %multiple_of3A_163] : memref<32x1000000xf32, #tpu.memory_space<hbm>> -> memref<32x128xf32, #tpu.memory_space<hbm>>
    tpu.enqueue_dma source(%dma_start3A_172 : memref<32x128xf32, #tpu.memory_space<hbm>>) target(%arg18 : memref<32x128xf32, #tpu.memory_space<vmem>>) target_semaphore(%arg34 : memref<!tpu.dma_semaphore, #tpu.memory_space<semaphore_mem>>)
    %dma_start3A_173 = arith.constant 0 : i32
    %dma_start3A_174 = tpu.memref_slice %arg5[%dma_start3A_173, %multiple_of3A_168] : memref<32x1000000xf32, #tpu.memory_space<hbm>> -> memref<32x128xf32, #tpu.memory_space<hbm>>
    %dma_start3A_175 = arith.constant 0 : i32
    %dma_start3A_176 = tpu.memref_slice %arg5[%dma_start3A_175, %multiple_of3A_168] : memref<32x1000000xf32, #tpu.memory_space<hbm>> -> memref<32x128xf32, #tpu.memory_space<hbm>>
    tpu.enqueue_dma source(%dma_start3A_176 : memref<32x128xf32, #tpu.memory_space<hbm>>) target(%arg26 : memref<32x128xf32, #tpu.memory_space<vmem>>) target_semaphore(%arg42 : memref<!tpu.dma_semaphore, #tpu.memory_space<semaphore_mem>>)
    %scan3A = arith.constant 0 : i32
    %scan3A_177 = arith.constant 0 : i32
    %scan3A_178 = arith.constant 32 : i32
    %scan3A_179 = arith.addi %scan3A_177, %scan3A_178 : i32
    %scan3A_180 = arith.constant 1 : i32
    scf.for %scan3A_182 = %scan3A_177 to %scan3A_179 step %scan3A_180  : i32 {
      %mul3A_183 = arith.constant 16 : i32
      %mul3A_184 = arith.muli %scan3A_182, %mul3A_183 : i32
      %get3A_185 = arith.index_cast %mul3A_184 : i32 to index
      %get3A_186 = tpu.vector_load %arg7[%get3A_185] {strides = array<i32>} : memref<512xi32, #tpu.memory_space<vmem>>, vector<16xi32>,
      %get3A_187 = arith.index_cast %mul3A_184 : i32 to index
      %get3A_188 = tpu.vector_load %arg8[%get3A_187] {strides = array<i32>} : memref<512xi32, #tpu.memory_space<vmem>>, vector<16xi32>,
      %add3A_189 = arith.constant 1 : i32
      %add3A_190 = arith.addi %scan3A_182, %add3A_189 : i32
      %min3A = arith.constant 31 : i32
      %min3A_191 = arith.minsi %add3A_190, %min3A : i32
      %mul3A_192 = arith.constant 16 : i32
      %mul3A_193 = arith.muli %min3A_191, %mul3A_192 : i32
      %get3A_194 = arith.index_cast %mul3A_193 : i32 to index
      %get3A_195 = tpu.vector_load %arg7[%get3A_194] {strides = array<i32>} : memref<512xi32, #tpu.memory_space<vmem>>, vector<16xi32>,
      %get3A_196 = arith.index_cast %mul3A_193 : i32 to index
      %get3A_197 = tpu.vector_load %arg8[%get3A_196] {strides = array<i32>} : memref<512xi32, #tpu.memory_space<vmem>>, vector<16xi32>,
      %dma_wait3A = arith.constant 0 : i32
      %dma_wait3A_198 = arith.constant 0 : i32
      %dma_wait3A_199 = tpu.memref_slice %arg4[%dma_wait3A, %dma_wait3A_198] : memref<32x1000000xf32, #tpu.memory_space<hbm>> -> memref<32x128xf32, #tpu.memory_space<hbm>>
      %dma_wait3A_200 = arith.constant 0 : i32
      %dma_wait3A_201 = arith.constant 0 : i32
      %dma_wait3A_202 = tpu.memref_slice %arg4[%dma_wait3A_200, %dma_wait3A_201] : memref<32x1000000xf32, #tpu.memory_space<hbm>> -> memref<32x128xf32, #tpu.memory_space<hbm>>
      tpu.wait_dma2 semaphore(%arg27 : memref<!tpu.dma_semaphore, #tpu.memory_space<semaphore_mem>>) src(%dma_wait3A_202 : memref<32x128xf32, #tpu.memory_space<hbm>>) dst(%arg11 : memref<32x128xf32, #tpu.memory_space<vmem>>)
      %dma_wait3A_203 = arith.constant 0 : i32
      %dma_wait3A_204 = arith.constant 0 : i32
      %dma_wait3A_205 = tpu.memref_slice %arg5[%dma_wait3A_203, %dma_wait3A_204] : memref<32x1000000xf32, #tpu.memory_space<hbm>> -> memref<32x128xf32, #tpu.memory_space<hbm>>
      %dma_wait3A_206 = arith.constant 0 : i32
      %dma_wait3A_207 = arith.constant 0 : i32
      %dma_wait3A_208 = tpu.memref_slice %arg5[%dma_wait3A_206, %dma_wait3A_207] : memref<32x1000000xf32, #tpu.memory_space<hbm>> -> memref<32x128xf32, #tpu.memory_space<hbm>>
      tpu.wait_dma2 semaphore(%arg35 : memref<!tpu.dma_semaphore, #tpu.memory_space<semaphore_mem>>) src(%dma_wait3A_208 : memref<32x128xf32, #tpu.memory_space<hbm>>) dst(%arg19 : memref<32x128xf32, #tpu.memory_space<vmem>>)
      %slice3A_209 = vector.extract_strided_slice %get3A_186 {offsets = [0], sizes = [1], strides = [1]} : vector<16xi32> to vector<1xi32>
      %squeeze3A_210 = vector.extract %slice3A_209[0] : i32 from vector<1xi32>
      %and3A = arith.constant 127 : i32
      %and3A_211 = arith.andi %squeeze3A_210, %and3A : i32
      %slice3A_212 = vector.extract_strided_slice %get3A_188 {offsets = [0], sizes = [1], strides = [1]} : vector<16xi32> to vector<1xi32>
      %squeeze3A_213 = vector.extract %slice3A_212[0] : i32 from vector<1xi32>
      %and3A_214 = arith.constant 127 : i32
      %and3A_215 = arith.andi %squeeze3A_213, %and3A_214 : i32
      %broadcast_in_dim3A = vector.broadcast %and3A_211 : i32 to vector<16xi32>
      %broadcast_in_dim3A_216 = vector.broadcast %and3A_215 : i32 to vector<16xi32>
      %gather3A = tpu.vector_load_idx %arg11[%iota3A, %broadcast_in_dim3A] : memref<32x128xf32, #tpu.memory_space<vmem>>[vector<16xi32>, vector<16xi32>], vector<16xf32>,
      %add3A_217 = arith.constant 16 : i32
      %add3A_218 = vector.broadcast %add3A_217 : i32 to vector<16xi32>
      %add3A_219 = arith.addi %iota3A, %add3A_218 : vector<16xi32>
      %gather3A_220 = tpu.vector_load_idx %arg11[%add3A_219, %broadcast_in_dim3A] : memref<32x128xf32, #tpu.memory_space<vmem>>[vector<16xi32>, vector<16xi32>], vector<16xf32>,
      %gather3A_221 = tpu.vector_load_idx %arg19[%iota3A, %broadcast_in_dim3A_216] : memref<32x128xf32, #tpu.memory_space<vmem>>[vector<16xi32>, vector<16xi32>], vector<16xf32>,
      %add3A_222 = arith.constant 16 : i32
      %add3A_223 = vector.broadcast %add3A_222 : i32 to vector<16xi32>
      %add3A_224 = arith.addi %iota3A, %add3A_223 : vector<16xi32>
      %gather3A_225 = tpu.vector_load_idx %arg19[%add3A_224, %broadcast_in_dim3A_216] : memref<32x128xf32, #tpu.memory_space<vmem>>[vector<16xi32>, vector<16xi32>], vector<16xf32>,
      %slice3A_226 = vector.extract_strided_slice %get3A_186 {offsets = [8], sizes = [1], strides = [1]} : vector<16xi32> to vector<1xi32>
      %squeeze3A_227 = vector.extract %slice3A_226[0] : i32 from vector<1xi32>
      %slice3A_228 = vector.extract_strided_slice %get3A_188 {offsets = [8], sizes = [1], strides = [1]} : vector<16xi32> to vector<1xi32>
      %squeeze3A_229 = vector.extract %slice3A_228[0] : i32 from vector<1xi32>
      %shift_right_arithmetic3A_230 = arith.constant 7 : i32
      %shift_right_arithmetic3A_231 = arith.shrsi %squeeze3A_227, %shift_right_arithmetic3A_230 : i32
      %mul3A_232 = arith.constant 128 : i32
      %mul3A_233 = arith.muli %shift_right_arithmetic3A_231, %mul3A_232 : i32
      %multiple_of3A_234 = tpu.assume_multiple %mul3A_233, 128 : i32
      %shift_right_arithmetic3A_235 = arith.constant 7 : i32
      %shift_right_arithmetic3A_236 = arith.shrsi %squeeze3A_229, %shift_right_arithmetic3A_235 : i32
      %mul3A_237 = arith.constant 128 : i32
      %mul3A_238 = arith.muli %shift_right_arithmetic3A_236, %mul3A_237 : i32
      %multiple_of3A_239 = tpu.assume_multiple %mul3A_238, 128 : i32
      %dma_start3A_240 = arith.constant 0 : i32
      %dma_start3A_241 = tpu.memref_slice %arg4[%dma_start3A_240, %multiple_of3A_234] : memref<32x1000000xf32, #tpu.memory_space<hbm>> -> memref<32x128xf32, #tpu.memory_space<hbm>>
      %dma_start3A_242 = arith.constant 0 : i32
      %dma_start3A_243 = tpu.memref_slice %arg4[%dma_start3A_242, %multiple_of3A_234] : memref<32x1000000xf32, #tpu.memory_space<hbm>> -> memref<32x128xf32, #tpu.memory_space<hbm>>
      tpu.enqueue_dma source(%dma_start3A_243 : memref<32x128xf32, #tpu.memory_space<hbm>>) target(%arg11 : memref<32x128xf32, #tpu.memory_space<vmem>>) target_semaphore(%arg27 : memref<!tpu.dma_semaphore, #tpu.memory_space<semaphore_mem>>)
      %dma_start3A_244 = arith.constant 0 : i32
      %dma_start3A_245 = tpu.memref_slice %arg5[%dma_start3A_244, %multiple_of3A_239] : memref<32x1000000xf32, #tpu.memory_space<hbm>> -> memref<32x128xf32, #tpu.memory_space<hbm>>
      %dma_start3A_246 = arith.constant 0 : i32
      %dma_start3A_247 = tpu.memref_slice %arg5[%dma_start3A_246, %multiple_of3A_239] : memref<32x1000000xf32, #tpu.memory_space<hbm>> -> memref<32x128xf32, #tpu.memory_space<hbm>>
      tpu.enqueue_dma source(%dma_start3A_247 : memref<32x128xf32, #tpu.memory_space<hbm>>) target(%arg19 : memref<32x128xf32, #tpu.memory_space<vmem>>) target_semaphore(%arg35 : memref<!tpu.dma_semaphore, #tpu.memory_space<semaphore_mem>>)
      %mul3A_248 = arith.mulf %gather3A, %gather3A_221 : vector<16xf32>
      %mul3A_249 = arith.mulf %gather3A_220, %gather3A_225 : vector<16xf32>
      %add3A_250 = arith.addf %mul3A_248, %mul3A_249 : vector<16xf32>
      %swap3A = arith.constant 0 : index
      %swap3A_251 = tpu.vector_load %arg9[%swap3A] {strides = array<i32>} : memref<256xf32, #tpu.memory_space<vmem>>, vector<16xf32>,
      tpu.vector_store %arg9[%swap3A], %add3A_250 {strides = array<i32>} : memref<256xf32, #tpu.memory_space<vmem>>, vector<16xf32>,
      %dma_wait3A_252 = arith.constant 0 : i32
      %dma_wait3A_253 = arith.constant 0 : i32
      %dma_wait3A_254 = tpu.memref_slice %arg4[%dma_wait3A_252, %dma_wait3A_253] : memref<32x1000000xf32, #tpu.memory_space<hbm>> -> memref<32x128xf32, #tpu.memory_space<hbm>>
      %dma_wait3A_255 = arith.constant 0 : i32
      %dma_wait3A_256 = arith.constant 0 : i32
      %dma_wait3A_257 = tpu.memref_slice %arg4[%dma_wait3A_255, %dma_wait3A_256] : memref<32x1000000xf32, #tpu.memory_space<hbm>> -> memref<32x128xf32, #tpu.memory_space<hbm>>
      tpu.wait_dma2 semaphore(%arg28 : memref<!tpu.dma_semaphore, #tpu.memory_space<semaphore_mem>>) src(%dma_wait3A_257 : memref<32x128xf32, #tpu.memory_space<hbm>>) dst(%arg12 : memref<32x128xf32, #tpu.memory_space<vmem>>)
      %dma_wait3A_258 = arith.constant 0 : i32
      %dma_wait3A_259 = arith.constant 0 : i32
      %dma_wait3A_260 = tpu.memref_slice %arg5[%dma_wait3A_258, %dma_wait3A_259] : memref<32x1000000xf32, #tpu.memory_space<hbm>> -> memref<32x128xf32, #tpu.memory_space<hbm>>
      %dma_wait3A_261 = arith.constant 0 : i32
      %dma_wait3A_262 = arith.constant 0 : i32
      %dma_wait3A_263 = tpu.memref_slice %arg5[%dma_wait3A_261, %dma_wait3A_262] : memref<32x1000000xf32, #tpu.memory_space<hbm>> -> memref<32x128xf32, #tpu.memory_space<hbm>>
      tpu.wait_dma2 semaphore(%arg36 : memref<!tpu.dma_semaphore, #tpu.memory_space<semaphore_mem>>) src(%dma_wait3A_263 : memref<32x128xf32, #tpu.memory_space<hbm>>) dst(%arg20 : memref<32x128xf32, #tpu.memory_space<vmem>>)
      %slice3A_264 = vector.extract_strided_slice %get3A_186 {offsets = [1], sizes = [1], strides = [1]} : vector<16xi32> to vector<1xi32>
      %squeeze3A_265 = vector.extract %slice3A_264[0] : i32 from vector<1xi32>
      %and3A_266 = arith.constant 127 : i32
      %and3A_267 = arith.andi %squeeze3A_265, %and3A_266 : i32
      %slice3A_268 = vector.extract_strided_slice %get3A_188 {offsets = [1], sizes = [1], strides = [1]} : vector<16xi32> to vector<1xi32>
      %squeeze3A_269 = vector.extract %slice3A_268[0] : i32 from vector<1xi32>
      %and3A_270 = arith.constant 127 : i32
      %and3A_271 = arith.andi %squeeze3A_269, %and3A_270 : i32
      %broadcast_in_dim3A_272 = vector.broadcast %and3A_267 : i32 to vector<16xi32>
      %broadcast_in_dim3A_273 = vector.broadcast %and3A_271 : i32 to vector<16xi32>
      %gather3A_274 = tpu.vector_load_idx %arg12[%iota3A, %broadcast_in_dim3A_272] : memref<32x128xf32, #tpu.memory_space<vmem>>[vector<16xi32>, vector<16xi32>], vector<16xf32>,
      %add3A_275 = arith.constant 16 : i32
      %add3A_276 = vector.broadcast %add3A_275 : i32 to vector<16xi32>
      %add3A_277 = arith.addi %iota3A, %add3A_276 : vector<16xi32>
      %gather3A_278 = tpu.vector_load_idx %arg12[%add3A_277, %broadcast_in_dim3A_272] : memref<32x128xf32, #tpu.memory_space<vmem>>[vector<16xi32>, vector<16xi32>], vector<16xf32>,
      %gather3A_279 = tpu.vector_load_idx %arg20[%iota3A, %broadcast_in_dim3A_273] : memref<32x128xf32, #tpu.memory_space<vmem>>[vector<16xi32>, vector<16xi32>], vector<16xf32>,
      %add3A_280 = arith.constant 16 : i32
      %add3A_281 = vector.broadcast %add3A_280 : i32 to vector<16xi32>
      %add3A_282 = arith.addi %iota3A, %add3A_281 : vector<16xi32>
      %gather3A_283 = tpu.vector_load_idx %arg20[%add3A_282, %broadcast_in_dim3A_273] : memref<32x128xf32, #tpu.memory_space<vmem>>[vector<16xi32>, vector<16xi32>], vector<16xf32>,
      %slice3A_284 = vector.extract_strided_slice %get3A_186 {offsets = [9], sizes = [1], strides = [1]} : vector<16xi32> to vector<1xi32>
      %squeeze3A_285 = vector.extract %slice3A_284[0] : i32 from vector<1xi32>
      %slice3A_286 = vector.extract_strided_slice %get3A_188 {offsets = [9], sizes = [1], strides = [1]} : vector<16xi32> to vector<1xi32>
      %squeeze3A_287 = vector.extract %slice3A_286[0] : i32 from vector<1xi32>
      %shift_right_arithmetic3A_288 = arith.constant 7 : i32
      %shift_right_arithmetic3A_289 = arith.shrsi %squeeze3A_285, %shift_right_arithmetic3A_288 : i32
      %mul3A_290 = arith.constant 128 : i32
      %mul3A_291 = arith.muli %shift_right_arithmetic3A_289, %mul3A_290 : i32
      %multiple_of3A_292 = tpu.assume_multiple %mul3A_291, 128 : i32
      %shift_right_arithmetic3A_293 = arith.constant 7 : i32
      %shift_right_arithmetic3A_294 = arith.shrsi %squeeze3A_287, %shift_right_arithmetic3A_293 : i32
      %mul3A_295 = arith.constant 128 : i32
      %mul3A_296 = arith.muli %shift_right_arithmetic3A_294, %mul3A_295 : i32
      %multiple_of3A_297 = tpu.assume_multiple %mul3A_296, 128 : i32
      %dma_start3A_298 = arith.constant 0 : i32
      %dma_start3A_299 = tpu.memref_slice %arg4[%dma_start3A_298, %multiple_of3A_292] : memref<32x1000000xf32, #tpu.memory_space<hbm>> -> memref<32x128xf32, #tpu.memory_space<hbm>>
      %dma_start3A_300 = arith.constant 0 : i32
      %dma_start3A_301 = tpu.memref_slice %arg4[%dma_start3A_300, %multiple_of3A_292] : memref<32x1000000xf32, #tpu.memory_space<hbm>> -> memref<32x128xf32, #tpu.memory_space<hbm>>
      tpu.enqueue_dma source(%dma_start3A_301 : memref<32x128xf32, #tpu.memory_space<hbm>>) target(%arg12 : memref<32x128xf32, #tpu.memory_space<vmem>>) target_semaphore(%arg28 : memref<!tpu.dma_semaphore, #tpu.memory_space<semaphore_mem>>)
      %dma_start3A_302 = arith.constant 0 : i32
      %dma_start3A_303 = tpu.memref_slice %arg5[%dma_start3A_302, %multiple_of3A_297] : memref<32x1000000xf32, #tpu.memory_space<hbm>> -> memref<32x128xf32, #tpu.memory_space<hbm>>
      %dma_start3A_304 = arith.constant 0 : i32
      %dma_start3A_305 = tpu.memref_slice %arg5[%dma_start3A_304, %multiple_of3A_297] : memref<32x1000000xf32, #tpu.memory_space<hbm>> -> memref<32x128xf32, #tpu.memory_space<hbm>>
      tpu.enqueue_dma source(%dma_start3A_305 : memref<32x128xf32, #tpu.memory_space<hbm>>) target(%arg20 : memref<32x128xf32, #tpu.memory_space<vmem>>) target_semaphore(%arg36 : memref<!tpu.dma_semaphore, #tpu.memory_space<semaphore_mem>>)
      %mul3A_306 = arith.mulf %gather3A_274, %gather3A_279 : vector<16xf32>
      %mul3A_307 = arith.mulf %gather3A_278, %gather3A_283 : vector<16xf32>
      %add3A_308 = arith.addf %mul3A_306, %mul3A_307 : vector<16xf32>
      %swap3A_309 = arith.constant 16 : index
      %swap3A_310 = tpu.vector_load %arg9[%swap3A_309] {strides = array<i32>} : memref<256xf32, #tpu.memory_space<vmem>>, vector<16xf32>,
      tpu.vector_store %arg9[%swap3A_309], %add3A_308 {strides = array<i32>} : memref<256xf32, #tpu.memory_space<vmem>>, vector<16xf32>,
      %dma_wait3A_311 = arith.constant 0 : i32
      %dma_wait3A_312 = arith.constant 0 : i32
      %dma_wait3A_313 = tpu.memref_slice %arg4[%dma_wait3A_311, %dma_wait3A_312] : memref<32x1000000xf32, #tpu.memory_space<hbm>> -> memref<32x128xf32, #tpu.memory_space<hbm>>
      %dma_wait3A_314 = arith.constant 0 : i32
      %dma_wait3A_315 = arith.constant 0 : i32
      %dma_wait3A_316 = tpu.memref_slice %arg4[%dma_wait3A_314, %dma_wait3A_315] : memref<32x1000000xf32, #tpu.memory_space<hbm>> -> memref<32x128xf32, #tpu.memory_space<hbm>>
      tpu.wait_dma2 semaphore(%arg29 : memref<!tpu.dma_semaphore, #tpu.memory_space<semaphore_mem>>) src(%dma_wait3A_316 : memref<32x128xf32, #tpu.memory_space<hbm>>) dst(%arg13 : memref<32x128xf32, #tpu.memory_space<vmem>>)
      %dma_wait3A_317 = arith.constant 0 : i32
      %dma_wait3A_318 = arith.constant 0 : i32
      %dma_wait3A_319 = tpu.memref_slice %arg5[%dma_wait3A_317, %dma_wait3A_318] : memref<32x1000000xf32, #tpu.memory_space<hbm>> -> memref<32x128xf32, #tpu.memory_space<hbm>>
      %dma_wait3A_320 = arith.constant 0 : i32
      %dma_wait3A_321 = arith.constant 0 : i32
      %dma_wait3A_322 = tpu.memref_slice %arg5[%dma_wait3A_320, %dma_wait3A_321] : memref<32x1000000xf32, #tpu.memory_space<hbm>> -> memref<32x128xf32, #tpu.memory_space<hbm>>
      tpu.wait_dma2 semaphore(%arg37 : memref<!tpu.dma_semaphore, #tpu.memory_space<semaphore_mem>>) src(%dma_wait3A_322 : memref<32x128xf32, #tpu.memory_space<hbm>>) dst(%arg21 : memref<32x128xf32, #tpu.memory_space<vmem>>)
      %slice3A_323 = vector.extract_strided_slice %get3A_186 {offsets = [2], sizes = [1], strides = [1]} : vector<16xi32> to vector<1xi32>
      %squeeze3A_324 = vector.extract %slice3A_323[0] : i32 from vector<1xi32>
      %and3A_325 = arith.constant 127 : i32
      %and3A_326 = arith.andi %squeeze3A_324, %and3A_325 : i32
      %slice3A_327 = vector.extract_strided_slice %get3A_188 {offsets = [2], sizes = [1], strides = [1]} : vector<16xi32> to vector<1xi32>
      %squeeze3A_328 = vector.extract %slice3A_327[0] : i32 from vector<1xi32>
      %and3A_329 = arith.constant 127 : i32
      %and3A_330 = arith.andi %squeeze3A_328, %and3A_329 : i32
      %broadcast_in_dim3A_331 = vector.broadcast %and3A_326 : i32 to vector<16xi32>
      %broadcast_in_dim3A_332 = vector.broadcast %and3A_330 : i32 to vector<16xi32>
      %gather3A_333 = tpu.vector_load_idx %arg13[%iota3A, %broadcast_in_dim3A_331] : memref<32x128xf32, #tpu.memory_space<vmem>>[vector<16xi32>, vector<16xi32>], vector<16xf32>,
      %add3A_334 = arith.constant 16 : i32
      %add3A_335 = vector.broadcast %add3A_334 : i32 to vector<16xi32>
      %add3A_336 = arith.addi %iota3A, %add3A_335 : vector<16xi32>
      %gather3A_337 = tpu.vector_load_idx %arg13[%add3A_336, %broadcast_in_dim3A_331] : memref<32x128xf32, #tpu.memory_space<vmem>>[vector<16xi32>, vector<16xi32>], vector<16xf32>,
      %gather3A_338 = tpu.vector_load_idx %arg21[%iota3A, %broadcast_in_dim3A_332] : memref<32x128xf32, #tpu.memory_space<vmem>>[vector<16xi32>, vector<16xi32>], vector<16xf32>,
      %add3A_339 = arith.constant 16 : i32
      %add3A_340 = vector.broadcast %add3A_339 : i32 to vector<16xi32>
      %add3A_341 = arith.addi %iota3A, %add3A_340 : vector<16xi32>
      %gather3A_342 = tpu.vector_load_idx %arg21[%add3A_341, %broadcast_in_dim3A_332] : memref<32x128xf32, #tpu.memory_space<vmem>>[vector<16xi32>, vector<16xi32>], vector<16xf32>,
      %slice3A_343 = vector.extract_strided_slice %get3A_186 {offsets = [10], sizes = [1], strides = [1]} : vector<16xi32> to vector<1xi32>
      %squeeze3A_344 = vector.extract %slice3A_343[0] : i32 from vector<1xi32>
      %slice3A_345 = vector.extract_strided_slice %get3A_188 {offsets = [10], sizes = [1], strides = [1]} : vector<16xi32> to vector<1xi32>
      %squeeze3A_346 = vector.extract %slice3A_345[0] : i32 from vector<1xi32>
      %shift_right_arithmetic3A_347 = arith.constant 7 : i32
      %shift_right_arithmetic3A_348 = arith.shrsi %squeeze3A_344, %shift_right_arithmetic3A_347 : i32
      %mul3A_349 = arith.constant 128 : i32
      %mul3A_350 = arith.muli %shift_right_arithmetic3A_348, %mul3A_349 : i32
      %multiple_of3A_351 = tpu.assume_multiple %mul3A_350, 128 : i32
      %shift_right_arithmetic3A_352 = arith.constant 7 : i32
      %shift_right_arithmetic3A_353 = arith.shrsi %squeeze3A_346, %shift_right_arithmetic3A_352 : i32
      %mul3A_354 = arith.constant 128 : i32
      %mul3A_355 = arith.muli %shift_right_arithmetic3A_353, %mul3A_354 : i32
      %multiple_of3A_356 = tpu.assume_multiple %mul3A_355, 128 : i32
      %dma_start3A_357 = arith.constant 0 : i32
      %dma_start3A_358 = tpu.memref_slice %arg4[%dma_start3A_357, %multiple_of3A_351] : memref<32x1000000xf32, #tpu.memory_space<hbm>> -> memref<32x128xf32, #tpu.memory_space<hbm>>
      %dma_start3A_359 = arith.constant 0 : i32
      %dma_start3A_360 = tpu.memref_slice %arg4[%dma_start3A_359, %multiple_of3A_351] : memref<32x1000000xf32, #tpu.memory_space<hbm>> -> memref<32x128xf32, #tpu.memory_space<hbm>>
      tpu.enqueue_dma source(%dma_start3A_360 : memref<32x128xf32, #tpu.memory_space<hbm>>) target(%arg13 : memref<32x128xf32, #tpu.memory_space<vmem>>) target_semaphore(%arg29 : memref<!tpu.dma_semaphore, #tpu.memory_space<semaphore_mem>>)
      %dma_start3A_361 = arith.constant 0 : i32
      %dma_start3A_362 = tpu.memref_slice %arg5[%dma_start3A_361, %multiple_of3A_356] : memref<32x1000000xf32, #tpu.memory_space<hbm>> -> memref<32x128xf32, #tpu.memory_space<hbm>>
      %dma_start3A_363 = arith.constant 0 : i32
      %dma_start3A_364 = tpu.memref_slice %arg5[%dma_start3A_363, %multiple_of3A_356] : memref<32x1000000xf32, #tpu.memory_space<hbm>> -> memref<32x128xf32, #tpu.memory_space<hbm>>
      tpu.enqueue_dma source(%dma_start3A_364 : memref<32x128xf32, #tpu.memory_space<hbm>>) target(%arg21 : memref<32x128xf32, #tpu.memory_space<vmem>>) target_semaphore(%arg37 : memref<!tpu.dma_semaphore, #tpu.memory_space<semaphore_mem>>)
      %mul3A_365 = arith.mulf %gather3A_333, %gather3A_338 : vector<16xf32>
      %mul3A_366 = arith.mulf %gather3A_337, %gather3A_342 : vector<16xf32>
      %add3A_367 = arith.addf %mul3A_365, %mul3A_366 : vector<16xf32>
      %swap3A_368 = arith.constant 32 : index
      %swap3A_369 = tpu.vector_load %arg9[%swap3A_368] {strides = array<i32>} : memref<256xf32, #tpu.memory_space<vmem>>, vector<16xf32>,
      tpu.vector_store %arg9[%swap3A_368], %add3A_367 {strides = array<i32>} : memref<256xf32, #tpu.memory_space<vmem>>, vector<16xf32>,
      %dma_wait3A_370 = arith.constant 0 : i32
      %dma_wait3A_371 = arith.constant 0 : i32
      %dma_wait3A_372 = tpu.memref_slice %arg4[%dma_wait3A_370, %dma_wait3A_371] : memref<32x1000000xf32, #tpu.memory_space<hbm>> -> memref<32x128xf32, #tpu.memory_space<hbm>>
      %dma_wait3A_373 = arith.constant 0 : i32
      %dma_wait3A_374 = arith.constant 0 : i32
      %dma_wait3A_375 = tpu.memref_slice %arg4[%dma_wait3A_373, %dma_wait3A_374] : memref<32x1000000xf32, #tpu.memory_space<hbm>> -> memref<32x128xf32, #tpu.memory_space<hbm>>
      tpu.wait_dma2 semaphore(%arg30 : memref<!tpu.dma_semaphore, #tpu.memory_space<semaphore_mem>>) src(%dma_wait3A_375 : memref<32x128xf32, #tpu.memory_space<hbm>>) dst(%arg14 : memref<32x128xf32, #tpu.memory_space<vmem>>)
      %dma_wait3A_376 = arith.constant 0 : i32
      %dma_wait3A_377 = arith.constant 0 : i32
      %dma_wait3A_378 = tpu.memref_slice %arg5[%dma_wait3A_376, %dma_wait3A_377] : memref<32x1000000xf32, #tpu.memory_space<hbm>> -> memref<32x128xf32, #tpu.memory_space<hbm>>
      %dma_wait3A_379 = arith.constant 0 : i32
      %dma_wait3A_380 = arith.constant 0 : i32
      %dma_wait3A_381 = tpu.memref_slice %arg5[%dma_wait3A_379, %dma_wait3A_380] : memref<32x1000000xf32, #tpu.memory_space<hbm>> -> memref<32x128xf32, #tpu.memory_space<hbm>>
      tpu.wait_dma2 semaphore(%arg38 : memref<!tpu.dma_semaphore, #tpu.memory_space<semaphore_mem>>) src(%dma_wait3A_381 : memref<32x128xf32, #tpu.memory_space<hbm>>) dst(%arg22 : memref<32x128xf32, #tpu.memory_space<vmem>>)
      %slice3A_382 = vector.extract_strided_slice %get3A_186 {offsets = [3], sizes = [1], strides = [1]} : vector<16xi32> to vector<1xi32>
      %squeeze3A_383 = vector.extract %slice3A_382[0] : i32 from vector<1xi32>
      %and3A_384 = arith.constant 127 : i32
      %and3A_385 = arith.andi %squeeze3A_383, %and3A_384 : i32
      %slice3A_386 = vector.extract_strided_slice %get3A_188 {offsets = [3], sizes = [1], strides = [1]} : vector<16xi32> to vector<1xi32>
      %squeeze3A_387 = vector.extract %slice3A_386[0] : i32 from vector<1xi32>
      %and3A_388 = arith.constant 127 : i32
      %and3A_389 = arith.andi %squeeze3A_387, %and3A_388 : i32
      %broadcast_in_dim3A_390 = vector.broadcast %and3A_385 : i32 to vector<16xi32>
      %broadcast_in_dim3A_391 = vector.broadcast %and3A_389 : i32 to vector<16xi32>
      %gather3A_392 = tpu.vector_load_idx %arg14[%iota3A, %broadcast_in_dim3A_390] : memref<32x128xf32, #tpu.memory_space<vmem>>[vector<16xi32>, vector<16xi32>], vector<16xf32>,
      %add3A_393 = arith.constant 16 : i32
      %add3A_394 = vector.broadcast %add3A_393 : i32 to vector<16xi32>
      %add3A_395 = arith.addi %iota3A, %add3A_394 : vector<16xi32>
      %gather3A_396 = tpu.vector_load_idx %arg14[%add3A_395, %broadcast_in_dim3A_390] : memref<32x128xf32, #tpu.memory_space<vmem>>[vector<16xi32>, vector<16xi32>], vector<16xf32>,
      %gather3A_397 = tpu.vector_load_idx %arg22[%iota3A, %broadcast_in_dim3A_391] : memref<32x128xf32, #tpu.memory_space<vmem>>[vector<16xi32>, vector<16xi32>], vector<16xf32>,
      %add3A_398 = arith.constant 16 : i32
      %add3A_399 = vector.broadcast %add3A_398 : i32 to vector<16xi32>
      %add3A_400 = arith.addi %iota3A, %add3A_399 : vector<16xi32>
      %gather3A_401 = tpu.vector_load_idx %arg22[%add3A_400, %broadcast_in_dim3A_391] : memref<32x128xf32, #tpu.memory_space<vmem>>[vector<16xi32>, vector<16xi32>], vector<16xf32>,
      %slice3A_402 = vector.extract_strided_slice %get3A_186 {offsets = [11], sizes = [1], strides = [1]} : vector<16xi32> to vector<1xi32>
      %squeeze3A_403 = vector.extract %slice3A_402[0] : i32 from vector<1xi32>
      %slice3A_404 = vector.extract_strided_slice %get3A_188 {offsets = [11], sizes = [1], strides = [1]} : vector<16xi32> to vector<1xi32>
      %squeeze3A_405 = vector.extract %slice3A_404[0] : i32 from vector<1xi32>
      %shift_right_arithmetic3A_406 = arith.constant 7 : i32
      %shift_right_arithmetic3A_407 = arith.shrsi %squeeze3A_403, %shift_right_arithmetic3A_406 : i32
      %mul3A_408 = arith.constant 128 : i32
      %mul3A_409 = arith.muli %shift_right_arithmetic3A_407, %mul3A_408 : i32
      %multiple_of3A_410 = tpu.assume_multiple %mul3A_409, 128 : i32
      %shift_right_arithmetic3A_411 = arith.constant 7 : i32
      %shift_right_arithmetic3A_412 = arith.shrsi %squeeze3A_405, %shift_right_arithmetic3A_411 : i32
      %mul3A_413 = arith.constant 128 : i32
      %mul3A_414 = arith.muli %shift_right_arithmetic3A_412, %mul3A_413 : i32
      %multiple_of3A_415 = tpu.assume_multiple %mul3A_414, 128 : i32
      %dma_start3A_416 = arith.constant 0 : i32
      %dma_start3A_417 = tpu.memref_slice %arg4[%dma_start3A_416, %multiple_of3A_410] : memref<32x1000000xf32, #tpu.memory_space<hbm>> -> memref<32x128xf32, #tpu.memory_space<hbm>>
      %dma_start3A_418 = arith.constant 0 : i32
      %dma_start3A_419 = tpu.memref_slice %arg4[%dma_start3A_418, %multiple_of3A_410] : memref<32x1000000xf32, #tpu.memory_space<hbm>> -> memref<32x128xf32, #tpu.memory_space<hbm>>
      tpu.enqueue_dma source(%dma_start3A_419 : memref<32x128xf32, #tpu.memory_space<hbm>>) target(%arg14 : memref<32x128xf32, #tpu.memory_space<vmem>>) target_semaphore(%arg30 : memref<!tpu.dma_semaphore, #tpu.memory_space<semaphore_mem>>)
      %dma_start3A_420 = arith.constant 0 : i32
      %dma_start3A_421 = tpu.memref_slice %arg5[%dma_start3A_420, %multiple_of3A_415] : memref<32x1000000xf32, #tpu.memory_space<hbm>> -> memref<32x128xf32, #tpu.memory_space<hbm>>
      %dma_start3A_422 = arith.constant 0 : i32
      %dma_start3A_423 = tpu.memref_slice %arg5[%dma_start3A_422, %multiple_of3A_415] : memref<32x1000000xf32, #tpu.memory_space<hbm>> -> memref<32x128xf32, #tpu.memory_space<hbm>>
      tpu.enqueue_dma source(%dma_start3A_423 : memref<32x128xf32, #tpu.memory_space<hbm>>) target(%arg22 : memref<32x128xf32, #tpu.memory_space<vmem>>) target_semaphore(%arg38 : memref<!tpu.dma_semaphore, #tpu.memory_space<semaphore_mem>>)
      %mul3A_424 = arith.mulf %gather3A_392, %gather3A_397 : vector<16xf32>
      %mul3A_425 = arith.mulf %gather3A_396, %gather3A_401 : vector<16xf32>
      %add3A_426 = arith.addf %mul3A_424, %mul3A_425 : vector<16xf32>
      %swap3A_427 = arith.constant 48 : index
      %swap3A_428 = tpu.vector_load %arg9[%swap3A_427] {strides = array<i32>} : memref<256xf32, #tpu.memory_space<vmem>>, vector<16xf32>,
      tpu.vector_store %arg9[%swap3A_427], %add3A_426 {strides = array<i32>} : memref<256xf32, #tpu.memory_space<vmem>>, vector<16xf32>,
      %dma_wait3A_429 = arith.constant 0 : i32
      %dma_wait3A_430 = arith.constant 0 : i32
      %dma_wait3A_431 = tpu.memref_slice %arg4[%dma_wait3A_429, %dma_wait3A_430] : memref<32x1000000xf32, #tpu.memory_space<hbm>> -> memref<32x128xf32, #tpu.memory_space<hbm>>
      %dma_wait3A_432 = arith.constant 0 : i32
      %dma_wait3A_433 = arith.constant 0 : i32
      %dma_wait3A_434 = tpu.memref_slice %arg4[%dma_wait3A_432, %dma_wait3A_433] : memref<32x1000000xf32, #tpu.memory_space<hbm>> -> memref<32x128xf32, #tpu.memory_space<hbm>>
      tpu.wait_dma2 semaphore(%arg31 : memref<!tpu.dma_semaphore, #tpu.memory_space<semaphore_mem>>) src(%dma_wait3A_434 : memref<32x128xf32, #tpu.memory_space<hbm>>) dst(%arg15 : memref<32x128xf32, #tpu.memory_space<vmem>>)
      %dma_wait3A_435 = arith.constant 0 : i32
      %dma_wait3A_436 = arith.constant 0 : i32
      %dma_wait3A_437 = tpu.memref_slice %arg5[%dma_wait3A_435, %dma_wait3A_436] : memref<32x1000000xf32, #tpu.memory_space<hbm>> -> memref<32x128xf32, #tpu.memory_space<hbm>>
      %dma_wait3A_438 = arith.constant 0 : i32
      %dma_wait3A_439 = arith.constant 0 : i32
      %dma_wait3A_440 = tpu.memref_slice %arg5[%dma_wait3A_438, %dma_wait3A_439] : memref<32x1000000xf32, #tpu.memory_space<hbm>> -> memref<32x128xf32, #tpu.memory_space<hbm>>
      tpu.wait_dma2 semaphore(%arg39 : memref<!tpu.dma_semaphore, #tpu.memory_space<semaphore_mem>>) src(%dma_wait3A_440 : memref<32x128xf32, #tpu.memory_space<hbm>>) dst(%arg23 : memref<32x128xf32, #tpu.memory_space<vmem>>)
      %slice3A_441 = vector.extract_strided_slice %get3A_186 {offsets = [4], sizes = [1], strides = [1]} : vector<16xi32> to vector<1xi32>
      %squeeze3A_442 = vector.extract %slice3A_441[0] : i32 from vector<1xi32>
      %and3A_443 = arith.constant 127 : i32
      %and3A_444 = arith.andi %squeeze3A_442, %and3A_443 : i32
      %slice3A_445 = vector.extract_strided_slice %get3A_188 {offsets = [4], sizes = [1], strides = [1]} : vector<16xi32> to vector<1xi32>
      %squeeze3A_446 = vector.extract %slice3A_445[0] : i32 from vector<1xi32>
      %and3A_447 = arith.constant 127 : i32
      %and3A_448 = arith.andi %squeeze3A_446, %and3A_447 : i32
      %broadcast_in_dim3A_449 = vector.broadcast %and3A_444 : i32 to vector<16xi32>
      %broadcast_in_dim3A_450 = vector.broadcast %and3A_448 : i32 to vector<16xi32>
      %gather3A_451 = tpu.vector_load_idx %arg15[%iota3A, %broadcast_in_dim3A_449] : memref<32x128xf32, #tpu.memory_space<vmem>>[vector<16xi32>, vector<16xi32>], vector<16xf32>,
      %add3A_452 = arith.constant 16 : i32
      %add3A_453 = vector.broadcast %add3A_452 : i32 to vector<16xi32>
      %add3A_454 = arith.addi %iota3A, %add3A_453 : vector<16xi32>
      %gather3A_455 = tpu.vector_load_idx %arg15[%add3A_454, %broadcast_in_dim3A_449] : memref<32x128xf32, #tpu.memory_space<vmem>>[vector<16xi32>, vector<16xi32>], vector<16xf32>,
      %gather3A_456 = tpu.vector_load_idx %arg23[%iota3A, %broadcast_in_dim3A_450] : memref<32x128xf32, #tpu.memory_space<vmem>>[vector<16xi32>, vector<16xi32>], vector<16xf32>,
      %add3A_457 = arith.constant 16 : i32
      %add3A_458 = vector.broadcast %add3A_457 : i32 to vector<16xi32>
      %add3A_459 = arith.addi %iota3A, %add3A_458 : vector<16xi32>
      %gather3A_460 = tpu.vector_load_idx %arg23[%add3A_459, %broadcast_in_dim3A_450] : memref<32x128xf32, #tpu.memory_space<vmem>>[vector<16xi32>, vector<16xi32>], vector<16xf32>,
      %slice3A_461 = vector.extract_strided_slice %get3A_186 {offsets = [12], sizes = [1], strides = [1]} : vector<16xi32> to vector<1xi32>
      %squeeze3A_462 = vector.extract %slice3A_461[0] : i32 from vector<1xi32>
      %slice3A_463 = vector.extract_strided_slice %get3A_188 {offsets = [12], sizes = [1], strides = [1]} : vector<16xi32> to vector<1xi32>
      %squeeze3A_464 = vector.extract %slice3A_463[0] : i32 from vector<1xi32>
      %shift_right_arithmetic3A_465 = arith.constant 7 : i32
      %shift_right_arithmetic3A_466 = arith.shrsi %squeeze3A_462, %shift_right_arithmetic3A_465 : i32
      %mul3A_467 = arith.constant 128 : i32
      %mul3A_468 = arith.muli %shift_right_arithmetic3A_466, %mul3A_467 : i32
      %multiple_of3A_469 = tpu.assume_multiple %mul3A_468, 128 : i32
      %shift_right_arithmetic3A_470 = arith.constant 7 : i32
      %shift_right_arithmetic3A_471 = arith.shrsi %squeeze3A_464, %shift_right_arithmetic3A_470 : i32
      %mul3A_472 = arith.constant 128 : i32
      %mul3A_473 = arith.muli %shift_right_arithmetic3A_471, %mul3A_472 : i32
      %multiple_of3A_474 = tpu.assume_multiple %mul3A_473, 128 : i32
      %dma_start3A_475 = arith.constant 0 : i32
      %dma_start3A_476 = tpu.memref_slice %arg4[%dma_start3A_475, %multiple_of3A_469] : memref<32x1000000xf32, #tpu.memory_space<hbm>> -> memref<32x128xf32, #tpu.memory_space<hbm>>
      %dma_start3A_477 = arith.constant 0 : i32
      %dma_start3A_478 = tpu.memref_slice %arg4[%dma_start3A_477, %multiple_of3A_469] : memref<32x1000000xf32, #tpu.memory_space<hbm>> -> memref<32x128xf32, #tpu.memory_space<hbm>>
      tpu.enqueue_dma source(%dma_start3A_478 : memref<32x128xf32, #tpu.memory_space<hbm>>) target(%arg15 : memref<32x128xf32, #tpu.memory_space<vmem>>) target_semaphore(%arg31 : memref<!tpu.dma_semaphore, #tpu.memory_space<semaphore_mem>>)
      %dma_start3A_479 = arith.constant 0 : i32
      %dma_start3A_480 = tpu.memref_slice %arg5[%dma_start3A_479, %multiple_of3A_474] : memref<32x1000000xf32, #tpu.memory_space<hbm>> -> memref<32x128xf32, #tpu.memory_space<hbm>>
      %dma_start3A_481 = arith.constant 0 : i32
      %dma_start3A_482 = tpu.memref_slice %arg5[%dma_start3A_481, %multiple_of3A_474] : memref<32x1000000xf32, #tpu.memory_space<hbm>> -> memref<32x128xf32, #tpu.memory_space<hbm>>
      tpu.enqueue_dma source(%dma_start3A_482 : memref<32x128xf32, #tpu.memory_space<hbm>>) target(%arg23 : memref<32x128xf32, #tpu.memory_space<vmem>>) target_semaphore(%arg39 : memref<!tpu.dma_semaphore, #tpu.memory_space<semaphore_mem>>)
      %mul3A_483 = arith.mulf %gather3A_451, %gather3A_456 : vector<16xf32>
      %mul3A_484 = arith.mulf %gather3A_455, %gather3A_460 : vector<16xf32>
      %add3A_485 = arith.addf %mul3A_483, %mul3A_484 : vector<16xf32>
      %swap3A_486 = arith.constant 64 : index
      %swap3A_487 = tpu.vector_load %arg9[%swap3A_486] {strides = array<i32>} : memref<256xf32, #tpu.memory_space<vmem>>, vector<16xf32>,
      tpu.vector_store %arg9[%swap3A_486], %add3A_485 {strides = array<i32>} : memref<256xf32, #tpu.memory_space<vmem>>, vector<16xf32>,
      %dma_wait3A_488 = arith.constant 0 : i32
      %dma_wait3A_489 = arith.constant 0 : i32
      %dma_wait3A_490 = tpu.memref_slice %arg4[%dma_wait3A_488, %dma_wait3A_489] : memref<32x1000000xf32, #tpu.memory_space<hbm>> -> memref<32x128xf32, #tpu.memory_space<hbm>>
      %dma_wait3A_491 = arith.constant 0 : i32
      %dma_wait3A_492 = arith.constant 0 : i32
      %dma_wait3A_493 = tpu.memref_slice %arg4[%dma_wait3A_491, %dma_wait3A_492] : memref<32x1000000xf32, #tpu.memory_space<hbm>> -> memref<32x128xf32, #tpu.memory_space<hbm>>
      tpu.wait_dma2 semaphore(%arg32 : memref<!tpu.dma_semaphore, #tpu.memory_space<semaphore_mem>>) src(%dma_wait3A_493 : memref<32x128xf32, #tpu.memory_space<hbm>>) dst(%arg16 : memref<32x128xf32, #tpu.memory_space<vmem>>)
      %dma_wait3A_494 = arith.constant 0 : i32
      %dma_wait3A_495 = arith.constant 0 : i32
      %dma_wait3A_496 = tpu.memref_slice %arg5[%dma_wait3A_494, %dma_wait3A_495] : memref<32x1000000xf32, #tpu.memory_space<hbm>> -> memref<32x128xf32, #tpu.memory_space<hbm>>
      %dma_wait3A_497 = arith.constant 0 : i32
      %dma_wait3A_498 = arith.constant 0 : i32
      %dma_wait3A_499 = tpu.memref_slice %arg5[%dma_wait3A_497, %dma_wait3A_498] : memref<32x1000000xf32, #tpu.memory_space<hbm>> -> memref<32x128xf32, #tpu.memory_space<hbm>>
      tpu.wait_dma2 semaphore(%arg40 : memref<!tpu.dma_semaphore, #tpu.memory_space<semaphore_mem>>) src(%dma_wait3A_499 : memref<32x128xf32, #tpu.memory_space<hbm>>) dst(%arg24 : memref<32x128xf32, #tpu.memory_space<vmem>>)
      %slice3A_500 = vector.extract_strided_slice %get3A_186 {offsets = [5], sizes = [1], strides = [1]} : vector<16xi32> to vector<1xi32>
      %squeeze3A_501 = vector.extract %slice3A_500[0] : i32 from vector<1xi32>
      %and3A_502 = arith.constant 127 : i32
      %and3A_503 = arith.andi %squeeze3A_501, %and3A_502 : i32
      %slice3A_504 = vector.extract_strided_slice %get3A_188 {offsets = [5], sizes = [1], strides = [1]} : vector<16xi32> to vector<1xi32>
      %squeeze3A_505 = vector.extract %slice3A_504[0] : i32 from vector<1xi32>
      %and3A_506 = arith.constant 127 : i32
      %and3A_507 = arith.andi %squeeze3A_505, %and3A_506 : i32
      %broadcast_in_dim3A_508 = vector.broadcast %and3A_503 : i32 to vector<16xi32>
      %broadcast_in_dim3A_509 = vector.broadcast %and3A_507 : i32 to vector<16xi32>
      %gather3A_510 = tpu.vector_load_idx %arg16[%iota3A, %broadcast_in_dim3A_508] : memref<32x128xf32, #tpu.memory_space<vmem>>[vector<16xi32>, vector<16xi32>], vector<16xf32>,
      %add3A_511 = arith.constant 16 : i32
      %add3A_512 = vector.broadcast %add3A_511 : i32 to vector<16xi32>
      %add3A_513 = arith.addi %iota3A, %add3A_512 : vector<16xi32>
      %gather3A_514 = tpu.vector_load_idx %arg16[%add3A_513, %broadcast_in_dim3A_508] : memref<32x128xf32, #tpu.memory_space<vmem>>[vector<16xi32>, vector<16xi32>], vector<16xf32>,
      %gather3A_515 = tpu.vector_load_idx %arg24[%iota3A, %broadcast_in_dim3A_509] : memref<32x128xf32, #tpu.memory_space<vmem>>[vector<16xi32>, vector<16xi32>], vector<16xf32>,
      %add3A_516 = arith.constant 16 : i32
      %add3A_517 = vector.broadcast %add3A_516 : i32 to vector<16xi32>
      %add3A_518 = arith.addi %iota3A, %add3A_517 : vector<16xi32>
      %gather3A_519 = tpu.vector_load_idx %arg24[%add3A_518, %broadcast_in_dim3A_509] : memref<32x128xf32, #tpu.memory_space<vmem>>[vector<16xi32>, vector<16xi32>], vector<16xf32>,
      %slice3A_520 = vector.extract_strided_slice %get3A_186 {offsets = [13], sizes = [1], strides = [1]} : vector<16xi32> to vector<1xi32>
      %squeeze3A_521 = vector.extract %slice3A_520[0] : i32 from vector<1xi32>
      %slice3A_522 = vector.extract_strided_slice %get3A_188 {offsets = [13], sizes = [1], strides = [1]} : vector<16xi32> to vector<1xi32>
      %squeeze3A_523 = vector.extract %slice3A_522[0] : i32 from vector<1xi32>
      %shift_right_arithmetic3A_524 = arith.constant 7 : i32
      %shift_right_arithmetic3A_525 = arith.shrsi %squeeze3A_521, %shift_right_arithmetic3A_524 : i32
      %mul3A_526 = arith.constant 128 : i32
      %mul3A_527 = arith.muli %shift_right_arithmetic3A_525, %mul3A_526 : i32
      %multiple_of3A_528 = tpu.assume_multiple %mul3A_527, 128 : i32
      %shift_right_arithmetic3A_529 = arith.constant 7 : i32
      %shift_right_arithmetic3A_530 = arith.shrsi %squeeze3A_523, %shift_right_arithmetic3A_529 : i32
      %mul3A_531 = arith.constant 128 : i32
      %mul3A_532 = arith.muli %shift_right_arithmetic3A_530, %mul3A_531 : i32
      %multiple_of3A_533 = tpu.assume_multiple %mul3A_532, 128 : i32
      %dma_start3A_534 = arith.constant 0 : i32
      %dma_start3A_535 = tpu.memref_slice %arg4[%dma_start3A_534, %multiple_of3A_528] : memref<32x1000000xf32, #tpu.memory_space<hbm>> -> memref<32x128xf32, #tpu.memory_space<hbm>>
      %dma_start3A_536 = arith.constant 0 : i32
      %dma_start3A_537 = tpu.memref_slice %arg4[%dma_start3A_536, %multiple_of3A_528] : memref<32x1000000xf32, #tpu.memory_space<hbm>> -> memref<32x128xf32, #tpu.memory_space<hbm>>
      tpu.enqueue_dma source(%dma_start3A_537 : memref<32x128xf32, #tpu.memory_space<hbm>>) target(%arg16 : memref<32x128xf32, #tpu.memory_space<vmem>>) target_semaphore(%arg32 : memref<!tpu.dma_semaphore, #tpu.memory_space<semaphore_mem>>)
      %dma_start3A_538 = arith.constant 0 : i32
      %dma_start3A_539 = tpu.memref_slice %arg5[%dma_start3A_538, %multiple_of3A_533] : memref<32x1000000xf32, #tpu.memory_space<hbm>> -> memref<32x128xf32, #tpu.memory_space<hbm>>
      %dma_start3A_540 = arith.constant 0 : i32
      %dma_start3A_541 = tpu.memref_slice %arg5[%dma_start3A_540, %multiple_of3A_533] : memref<32x1000000xf32, #tpu.memory_space<hbm>> -> memref<32x128xf32, #tpu.memory_space<hbm>>
      tpu.enqueue_dma source(%dma_start3A_541 : memref<32x128xf32, #tpu.memory_space<hbm>>) target(%arg24 : memref<32x128xf32, #tpu.memory_space<vmem>>) target_semaphore(%arg40 : memref<!tpu.dma_semaphore, #tpu.memory_space<semaphore_mem>>)
      %mul3A_542 = arith.mulf %gather3A_510, %gather3A_515 : vector<16xf32>
      %mul3A_543 = arith.mulf %gather3A_514, %gather3A_519 : vector<16xf32>
      %add3A_544 = arith.addf %mul3A_542, %mul3A_543 : vector<16xf32>
      %swap3A_545 = arith.constant 80 : index
      %swap3A_546 = tpu.vector_load %arg9[%swap3A_545] {strides = array<i32>} : memref<256xf32, #tpu.memory_space<vmem>>, vector<16xf32>,
      tpu.vector_store %arg9[%swap3A_545], %add3A_544 {strides = array<i32>} : memref<256xf32, #tpu.memory_space<vmem>>, vector<16xf32>,
      %dma_wait3A_547 = arith.constant 0 : i32
      %dma_wait3A_548 = arith.constant 0 : i32
      %dma_wait3A_549 = tpu.memref_slice %arg4[%dma_wait3A_547, %dma_wait3A_548] : memref<32x1000000xf32, #tpu.memory_space<hbm>> -> memref<32x128xf32, #tpu.memory_space<hbm>>
      %dma_wait3A_550 = arith.constant 0 : i32
      %dma_wait3A_551 = arith.constant 0 : i32
      %dma_wait3A_552 = tpu.memref_slice %arg4[%dma_wait3A_550, %dma_wait3A_551] : memref<32x1000000xf32, #tpu.memory_space<hbm>> -> memref<32x128xf32, #tpu.memory_space<hbm>>
      tpu.wait_dma2 semaphore(%arg33 : memref<!tpu.dma_semaphore, #tpu.memory_space<semaphore_mem>>) src(%dma_wait3A_552 : memref<32x128xf32, #tpu.memory_space<hbm>>) dst(%arg17 : memref<32x128xf32, #tpu.memory_space<vmem>>)
      %dma_wait3A_553 = arith.constant 0 : i32
      %dma_wait3A_554 = arith.constant 0 : i32
      %dma_wait3A_555 = tpu.memref_slice %arg5[%dma_wait3A_553, %dma_wait3A_554] : memref<32x1000000xf32, #tpu.memory_space<hbm>> -> memref<32x128xf32, #tpu.memory_space<hbm>>
      %dma_wait3A_556 = arith.constant 0 : i32
      %dma_wait3A_557 = arith.constant 0 : i32
      %dma_wait3A_558 = tpu.memref_slice %arg5[%dma_wait3A_556, %dma_wait3A_557] : memref<32x1000000xf32, #tpu.memory_space<hbm>> -> memref<32x128xf32, #tpu.memory_space<hbm>>
      tpu.wait_dma2 semaphore(%arg41 : memref<!tpu.dma_semaphore, #tpu.memory_space<semaphore_mem>>) src(%dma_wait3A_558 : memref<32x128xf32, #tpu.memory_space<hbm>>) dst(%arg25 : memref<32x128xf32, #tpu.memory_space<vmem>>)
      %slice3A_559 = vector.extract_strided_slice %get3A_186 {offsets = [6], sizes = [1], strides = [1]} : vector<16xi32> to vector<1xi32>
      %squeeze3A_560 = vector.extract %slice3A_559[0] : i32 from vector<1xi32>
      %and3A_561 = arith.constant 127 : i32
      %and3A_562 = arith.andi %squeeze3A_560, %and3A_561 : i32
      %slice3A_563 = vector.extract_strided_slice %get3A_188 {offsets = [6], sizes = [1], strides = [1]} : vector<16xi32> to vector<1xi32>
      %squeeze3A_564 = vector.extract %slice3A_563[0] : i32 from vector<1xi32>
      %and3A_565 = arith.constant 127 : i32
      %and3A_566 = arith.andi %squeeze3A_564, %and3A_565 : i32
      %broadcast_in_dim3A_567 = vector.broadcast %and3A_562 : i32 to vector<16xi32>
      %broadcast_in_dim3A_568 = vector.broadcast %and3A_566 : i32 to vector<16xi32>
      %gather3A_569 = tpu.vector_load_idx %arg17[%iota3A, %broadcast_in_dim3A_567] : memref<32x128xf32, #tpu.memory_space<vmem>>[vector<16xi32>, vector<16xi32>], vector<16xf32>,
      %add3A_570 = arith.constant 16 : i32
      %add3A_571 = vector.broadcast %add3A_570 : i32 to vector<16xi32>
      %add3A_572 = arith.addi %iota3A, %add3A_571 : vector<16xi32>
      %gather3A_573 = tpu.vector_load_idx %arg17[%add3A_572, %broadcast_in_dim3A_567] : memref<32x128xf32, #tpu.memory_space<vmem>>[vector<16xi32>, vector<16xi32>], vector<16xf32>,
      %gather3A_574 = tpu.vector_load_idx %arg25[%iota3A, %broadcast_in_dim3A_568] : memref<32x128xf32, #tpu.memory_space<vmem>>[vector<16xi32>, vector<16xi32>], vector<16xf32>,
      %add3A_575 = arith.constant 16 : i32
      %add3A_576 = vector.broadcast %add3A_575 : i32 to vector<16xi32>
      %add3A_577 = arith.addi %iota3A, %add3A_576 : vector<16xi32>
      %gather3A_578 = tpu.vector_load_idx %arg25[%add3A_577, %broadcast_in_dim3A_568] : memref<32x128xf32, #tpu.memory_space<vmem>>[vector<16xi32>, vector<16xi32>], vector<16xf32>,
      %slice3A_579 = vector.extract_strided_slice %get3A_186 {offsets = [14], sizes = [1], strides = [1]} : vector<16xi32> to vector<1xi32>
      %squeeze3A_580 = vector.extract %slice3A_579[0] : i32 from vector<1xi32>
      %slice3A_581 = vector.extract_strided_slice %get3A_188 {offsets = [14], sizes = [1], strides = [1]} : vector<16xi32> to vector<1xi32>
      %squeeze3A_582 = vector.extract %slice3A_581[0] : i32 from vector<1xi32>
      %shift_right_arithmetic3A_583 = arith.constant 7 : i32
      %shift_right_arithmetic3A_584 = arith.shrsi %squeeze3A_580, %shift_right_arithmetic3A_583 : i32
      %mul3A_585 = arith.constant 128 : i32
      %mul3A_586 = arith.muli %shift_right_arithmetic3A_584, %mul3A_585 : i32
      %multiple_of3A_587 = tpu.assume_multiple %mul3A_586, 128 : i32
      %shift_right_arithmetic3A_588 = arith.constant 7 : i32
      %shift_right_arithmetic3A_589 = arith.shrsi %squeeze3A_582, %shift_right_arithmetic3A_588 : i32
      %mul3A_590 = arith.constant 128 : i32
      %mul3A_591 = arith.muli %shift_right_arithmetic3A_589, %mul3A_590 : i32
      %multiple_of3A_592 = tpu.assume_multiple %mul3A_591, 128 : i32
      %dma_start3A_593 = arith.constant 0 : i32
      %dma_start3A_594 = tpu.memref_slice %arg4[%dma_start3A_593, %multiple_of3A_587] : memref<32x1000000xf32, #tpu.memory_space<hbm>> -> memref<32x128xf32, #tpu.memory_space<hbm>>
      %dma_start3A_595 = arith.constant 0 : i32
      %dma_start3A_596 = tpu.memref_slice %arg4[%dma_start3A_595, %multiple_of3A_587] : memref<32x1000000xf32, #tpu.memory_space<hbm>> -> memref<32x128xf32, #tpu.memory_space<hbm>>
      tpu.enqueue_dma source(%dma_start3A_596 : memref<32x128xf32, #tpu.memory_space<hbm>>) target(%arg17 : memref<32x128xf32, #tpu.memory_space<vmem>>) target_semaphore(%arg33 : memref<!tpu.dma_semaphore, #tpu.memory_space<semaphore_mem>>)
      %dma_start3A_597 = arith.constant 0 : i32
      %dma_start3A_598 = tpu.memref_slice %arg5[%dma_start3A_597, %multiple_of3A_592] : memref<32x1000000xf32, #tpu.memory_space<hbm>> -> memref<32x128xf32, #tpu.memory_space<hbm>>
      %dma_start3A_599 = arith.constant 0 : i32
      %dma_start3A_600 = tpu.memref_slice %arg5[%dma_start3A_599, %multiple_of3A_592] : memref<32x1000000xf32, #tpu.memory_space<hbm>> -> memref<32x128xf32, #tpu.memory_space<hbm>>
      tpu.enqueue_dma source(%dma_start3A_600 : memref<32x128xf32, #tpu.memory_space<hbm>>) target(%arg25 : memref<32x128xf32, #tpu.memory_space<vmem>>) target_semaphore(%arg41 : memref<!tpu.dma_semaphore, #tpu.memory_space<semaphore_mem>>)
      %mul3A_601 = arith.mulf %gather3A_569, %gather3A_574 : vector<16xf32>
      %mul3A_602 = arith.mulf %gather3A_573, %gather3A_578 : vector<16xf32>
      %add3A_603 = arith.addf %mul3A_601, %mul3A_602 : vector<16xf32>
      %swap3A_604 = arith.constant 96 : index
      %swap3A_605 = tpu.vector_load %arg9[%swap3A_604] {strides = array<i32>} : memref<256xf32, #tpu.memory_space<vmem>>, vector<16xf32>,
      tpu.vector_store %arg9[%swap3A_604], %add3A_603 {strides = array<i32>} : memref<256xf32, #tpu.memory_space<vmem>>, vector<16xf32>,
      %dma_wait3A_606 = arith.constant 0 : i32
      %dma_wait3A_607 = arith.constant 0 : i32
      %dma_wait3A_608 = tpu.memref_slice %arg4[%dma_wait3A_606, %dma_wait3A_607] : memref<32x1000000xf32, #tpu.memory_space<hbm>> -> memref<32x128xf32, #tpu.memory_space<hbm>>
      %dma_wait3A_609 = arith.constant 0 : i32
      %dma_wait3A_610 = arith.constant 0 : i32
      %dma_wait3A_611 = tpu.memref_slice %arg4[%dma_wait3A_609, %dma_wait3A_610] : memref<32x1000000xf32, #tpu.memory_space<hbm>> -> memref<32x128xf32, #tpu.memory_space<hbm>>
      tpu.wait_dma2 semaphore(%arg34 : memref<!tpu.dma_semaphore, #tpu.memory_space<semaphore_mem>>) src(%dma_wait3A_611 : memref<32x128xf32, #tpu.memory_space<hbm>>) dst(%arg18 : memref<32x128xf32, #tpu.memory_space<vmem>>)
      %dma_wait3A_612 = arith.constant 0 : i32
      %dma_wait3A_613 = arith.constant 0 : i32
      %dma_wait3A_614 = tpu.memref_slice %arg5[%dma_wait3A_612, %dma_wait3A_613] : memref<32x1000000xf32, #tpu.memory_space<hbm>> -> memref<32x128xf32, #tpu.memory_space<hbm>>
      %dma_wait3A_615 = arith.constant 0 : i32
      %dma_wait3A_616 = arith.constant 0 : i32
      %dma_wait3A_617 = tpu.memref_slice %arg5[%dma_wait3A_615, %dma_wait3A_616] : memref<32x1000000xf32, #tpu.memory_space<hbm>> -> memref<32x128xf32, #tpu.memory_space<hbm>>
      tpu.wait_dma2 semaphore(%arg42 : memref<!tpu.dma_semaphore, #tpu.memory_space<semaphore_mem>>) src(%dma_wait3A_617 : memref<32x128xf32, #tpu.memory_space<hbm>>) dst(%arg26 : memref<32x128xf32, #tpu.memory_space<vmem>>)
      %slice3A_618 = vector.extract_strided_slice %get3A_186 {offsets = [7], sizes = [1], strides = [1]} : vector<16xi32> to vector<1xi32>
      %squeeze3A_619 = vector.extract %slice3A_618[0] : i32 from vector<1xi32>
      %and3A_620 = arith.constant 127 : i32
      %and3A_621 = arith.andi %squeeze3A_619, %and3A_620 : i32
      %slice3A_622 = vector.extract_strided_slice %get3A_188 {offsets = [7], sizes = [1], strides = [1]} : vector<16xi32> to vector<1xi32>
      %squeeze3A_623 = vector.extract %slice3A_622[0] : i32 from vector<1xi32>
      %and3A_624 = arith.constant 127 : i32
      %and3A_625 = arith.andi %squeeze3A_623, %and3A_624 : i32
      %broadcast_in_dim3A_626 = vector.broadcast %and3A_621 : i32 to vector<16xi32>
      %broadcast_in_dim3A_627 = vector.broadcast %and3A_625 : i32 to vector<16xi32>
      %gather3A_628 = tpu.vector_load_idx %arg18[%iota3A, %broadcast_in_dim3A_626] : memref<32x128xf32, #tpu.memory_space<vmem>>[vector<16xi32>, vector<16xi32>], vector<16xf32>,
      %add3A_629 = arith.constant 16 : i32
      %add3A_630 = vector.broadcast %add3A_629 : i32 to vector<16xi32>
      %add3A_631 = arith.addi %iota3A, %add3A_630 : vector<16xi32>
      %gather3A_632 = tpu.vector_load_idx %arg18[%add3A_631, %broadcast_in_dim3A_626] : memref<32x128xf32, #tpu.memory_space<vmem>>[vector<16xi32>, vector<16xi32>], vector<16xf32>,
      %gather3A_633 = tpu.vector_load_idx %arg26[%iota3A, %broadcast_in_dim3A_627] : memref<32x128xf32, #tpu.memory_space<vmem>>[vector<16xi32>, vector<16xi32>], vector<16xf32>,
      %add3A_634 = arith.constant 16 : i32
      %add3A_635 = vector.broadcast %add3A_634 : i32 to vector<16xi32>
      %add3A_636 = arith.addi %iota3A, %add3A_635 : vector<16xi32>
      %gather3A_637 = tpu.vector_load_idx %arg26[%add3A_636, %broadcast_in_dim3A_627] : memref<32x128xf32, #tpu.memory_space<vmem>>[vector<16xi32>, vector<16xi32>], vector<16xf32>,
      %slice3A_638 = vector.extract_strided_slice %get3A_186 {offsets = [15], sizes = [1], strides = [1]} : vector<16xi32> to vector<1xi32>
      %squeeze3A_639 = vector.extract %slice3A_638[0] : i32 from vector<1xi32>
      %slice3A_640 = vector.extract_strided_slice %get3A_188 {offsets = [15], sizes = [1], strides = [1]} : vector<16xi32> to vector<1xi32>
      %squeeze3A_641 = vector.extract %slice3A_640[0] : i32 from vector<1xi32>
      %shift_right_arithmetic3A_642 = arith.constant 7 : i32
      %shift_right_arithmetic3A_643 = arith.shrsi %squeeze3A_639, %shift_right_arithmetic3A_642 : i32
      %mul3A_644 = arith.constant 128 : i32
      %mul3A_645 = arith.muli %shift_right_arithmetic3A_643, %mul3A_644 : i32
      %multiple_of3A_646 = tpu.assume_multiple %mul3A_645, 128 : i32
      %shift_right_arithmetic3A_647 = arith.constant 7 : i32
      %shift_right_arithmetic3A_648 = arith.shrsi %squeeze3A_641, %shift_right_arithmetic3A_647 : i32
      %mul3A_649 = arith.constant 128 : i32
      %mul3A_650 = arith.muli %shift_right_arithmetic3A_648, %mul3A_649 : i32
      %multiple_of3A_651 = tpu.assume_multiple %mul3A_650, 128 : i32
      %dma_start3A_652 = arith.constant 0 : i32
      %dma_start3A_653 = tpu.memref_slice %arg4[%dma_start3A_652, %multiple_of3A_646] : memref<32x1000000xf32, #tpu.memory_space<hbm>> -> memref<32x128xf32, #tpu.memory_space<hbm>>
      %dma_start3A_654 = arith.constant 0 : i32
      %dma_start3A_655 = tpu.memref_slice %arg4[%dma_start3A_654, %multiple_of3A_646] : memref<32x1000000xf32, #tpu.memory_space<hbm>> -> memref<32x128xf32, #tpu.memory_space<hbm>>
      tpu.enqueue_dma source(%dma_start3A_655 : memref<32x128xf32, #tpu.memory_space<hbm>>) target(%arg18 : memref<32x128xf32, #tpu.memory_space<vmem>>) target_semaphore(%arg34 : memref<!tpu.dma_semaphore, #tpu.memory_space<semaphore_mem>>)
      %dma_start3A_656 = arith.constant 0 : i32
      %dma_start3A_657 = tpu.memref_slice %arg5[%dma_start3A_656, %multiple_of3A_651] : memref<32x1000000xf32, #tpu.memory_space<hbm>> -> memref<32x128xf32, #tpu.memory_space<hbm>>
      %dma_start3A_658 = arith.constant 0 : i32
      %dma_start3A_659 = tpu.memref_slice %arg5[%dma_start3A_658, %multiple_of3A_651] : memref<32x1000000xf32, #tpu.memory_space<hbm>> -> memref<32x128xf32, #tpu.memory_space<hbm>>
      tpu.enqueue_dma source(%dma_start3A_659 : memref<32x128xf32, #tpu.memory_space<hbm>>) target(%arg26 : memref<32x128xf32, #tpu.memory_space<vmem>>) target_semaphore(%arg42 : memref<!tpu.dma_semaphore, #tpu.memory_space<semaphore_mem>>)
      %mul3A_660 = arith.mulf %gather3A_628, %gather3A_633 : vector<16xf32>
      %mul3A_661 = arith.mulf %gather3A_632, %gather3A_637 : vector<16xf32>
      %add3A_662 = arith.addf %mul3A_660, %mul3A_661 : vector<16xf32>
      %swap3A_663 = arith.constant 112 : index
      %swap3A_664 = tpu.vector_load %arg9[%swap3A_663] {strides = array<i32>} : memref<256xf32, #tpu.memory_space<vmem>>, vector<16xf32>,
      tpu.vector_store %arg9[%swap3A_663], %add3A_662 {strides = array<i32>} : memref<256xf32, #tpu.memory_space<vmem>>, vector<16xf32>,
      %dma_wait3A_665 = arith.constant 0 : i32
      %dma_wait3A_666 = arith.constant 0 : i32
      %dma_wait3A_667 = tpu.memref_slice %arg4[%dma_wait3A_665, %dma_wait3A_666] : memref<32x1000000xf32, #tpu.memory_space<hbm>> -> memref<32x128xf32, #tpu.memory_space<hbm>>
      %dma_wait3A_668 = arith.constant 0 : i32
      %dma_wait3A_669 = arith.constant 0 : i32
      %dma_wait3A_670 = tpu.memref_slice %arg4[%dma_wait3A_668, %dma_wait3A_669] : memref<32x1000000xf32, #tpu.memory_space<hbm>> -> memref<32x128xf32, #tpu.memory_space<hbm>>
      tpu.wait_dma2 semaphore(%arg27 : memref<!tpu.dma_semaphore, #tpu.memory_space<semaphore_mem>>) src(%dma_wait3A_670 : memref<32x128xf32, #tpu.memory_space<hbm>>) dst(%arg11 : memref<32x128xf32, #tpu.memory_space<vmem>>)
      %dma_wait3A_671 = arith.constant 0 : i32
      %dma_wait3A_672 = arith.constant 0 : i32
      %dma_wait3A_673 = tpu.memref_slice %arg5[%dma_wait3A_671, %dma_wait3A_672] : memref<32x1000000xf32, #tpu.memory_space<hbm>> -> memref<32x128xf32, #tpu.memory_space<hbm>>
      %dma_wait3A_674 = arith.constant 0 : i32
      %dma_wait3A_675 = arith.constant 0 : i32
      %dma_wait3A_676 = tpu.memref_slice %arg5[%dma_wait3A_674, %dma_wait3A_675] : memref<32x1000000xf32, #tpu.memory_space<hbm>> -> memref<32x128xf32, #tpu.memory_space<hbm>>
      tpu.wait_dma2 semaphore(%arg35 : memref<!tpu.dma_semaphore, #tpu.memory_space<semaphore_mem>>) src(%dma_wait3A_676 : memref<32x128xf32, #tpu.memory_space<hbm>>) dst(%arg19 : memref<32x128xf32, #tpu.memory_space<vmem>>)
      %slice3A_677 = vector.extract_strided_slice %get3A_186 {offsets = [8], sizes = [1], strides = [1]} : vector<16xi32> to vector<1xi32>
      %squeeze3A_678 = vector.extract %slice3A_677[0] : i32 from vector<1xi32>
      %and3A_679 = arith.constant 127 : i32
      %and3A_680 = arith.andi %squeeze3A_678, %and3A_679 : i32
      %slice3A_681 = vector.extract_strided_slice %get3A_188 {offsets = [8], sizes = [1], strides = [1]} : vector<16xi32> to vector<1xi32>
      %squeeze3A_682 = vector.extract %slice3A_681[0] : i32 from vector<1xi32>
      %and3A_683 = arith.constant 127 : i32
      %and3A_684 = arith.andi %squeeze3A_682, %and3A_683 : i32
      %broadcast_in_dim3A_685 = vector.broadcast %and3A_680 : i32 to vector<16xi32>
      %broadcast_in_dim3A_686 = vector.broadcast %and3A_684 : i32 to vector<16xi32>
      %gather3A_687 = tpu.vector_load_idx %arg11[%iota3A, %broadcast_in_dim3A_685] : memref<32x128xf32, #tpu.memory_space<vmem>>[vector<16xi32>, vector<16xi32>], vector<16xf32>,
      %add3A_688 = arith.constant 16 : i32
      %add3A_689 = vector.broadcast %add3A_688 : i32 to vector<16xi32>
      %add3A_690 = arith.addi %iota3A, %add3A_689 : vector<16xi32>
      %gather3A_691 = tpu.vector_load_idx %arg11[%add3A_690, %broadcast_in_dim3A_685] : memref<32x128xf32, #tpu.memory_space<vmem>>[vector<16xi32>, vector<16xi32>], vector<16xf32>,
      %gather3A_692 = tpu.vector_load_idx %arg19[%iota3A, %broadcast_in_dim3A_686] : memref<32x128xf32, #tpu.memory_space<vmem>>[vector<16xi32>, vector<16xi32>], vector<16xf32>,
      %add3A_693 = arith.constant 16 : i32
      %add3A_694 = vector.broadcast %add3A_693 : i32 to vector<16xi32>
      %add3A_695 = arith.addi %iota3A, %add3A_694 : vector<16xi32>
      %gather3A_696 = tpu.vector_load_idx %arg19[%add3A_695, %broadcast_in_dim3A_686] : memref<32x128xf32, #tpu.memory_space<vmem>>[vector<16xi32>, vector<16xi32>], vector<16xf32>,
      %add3A_697 = arith.constant 1 : i32
      %add3A_698 = arith.addi %scan3A_182, %add3A_697 : i32
      %lt3A = arith.constant 32 : i32
      %lt3A_699 = arith.cmpi slt, %add3A_698, %lt3A : i32
      %convert_element_type3A = arith.extui %lt3A_699 : i1 to i32
      %cond3A = arith.constant 0 : i32
      %cond3A_700 = arith.cmpi ne, %convert_element_type3A, %cond3A : i32
      scf.if %cond3A_700 {
        %slice3A_1146 = vector.extract_strided_slice %get3A_195 {offsets = [0], sizes = [1], strides = [1]} : vector<16xi32> to vector<1xi32>
        %squeeze3A_1147 = vector.extract %slice3A_1146[0] : i32 from vector<1xi32>
        %slice3A_1148 = vector.extract_strided_slice %get3A_197 {offsets = [0], sizes = [1], strides = [1]} : vector<16xi32> to vector<1xi32>
        %squeeze3A_1149 = vector.extract %slice3A_1148[0] : i32 from vector<1xi32>
        %shift_right_arithmetic3A_1150 = arith.constant 7 : i32
        %shift_right_arithmetic3A_1151 = arith.shrsi %squeeze3A_1147, %shift_right_arithmetic3A_1150 : i32
        %mul3A_1152 = arith.constant 128 : i32
        %mul3A_1153 = arith.muli %shift_right_arithmetic3A_1151, %mul3A_1152 : i32
        %multiple_of3A_1154 = tpu.assume_multiple %mul3A_1153, 128 : i32
        %shift_right_arithmetic3A_1155 = arith.constant 7 : i32
        %shift_right_arithmetic3A_1156 = arith.shrsi %squeeze3A_1149, %shift_right_arithmetic3A_1155 : i32
        %mul3A_1157 = arith.constant 128 : i32
        %mul3A_1158 = arith.muli %shift_right_arithmetic3A_1156, %mul3A_1157 : i32
        %multiple_of3A_1159 = tpu.assume_multiple %mul3A_1158, 128 : i32
        %dma_start3A_1160 = arith.constant 0 : i32
        %dma_start3A_1161 = tpu.memref_slice %arg4[%dma_start3A_1160, %multiple_of3A_1154] : memref<32x1000000xf32, #tpu.memory_space<hbm>> -> memref<32x128xf32, #tpu.memory_space<hbm>>
        %dma_start3A_1162 = arith.constant 0 : i32
        %dma_start3A_1163 = tpu.memref_slice %arg4[%dma_start3A_1162, %multiple_of3A_1154] : memref<32x1000000xf32, #tpu.memory_space<hbm>> -> memref<32x128xf32, #tpu.memory_space<hbm>>
        tpu.enqueue_dma source(%dma_start3A_1163 : memref<32x128xf32, #tpu.memory_space<hbm>>) target(%arg11 : memref<32x128xf32, #tpu.memory_space<vmem>>) target_semaphore(%arg27 : memref<!tpu.dma_semaphore, #tpu.memory_space<semaphore_mem>>)
        %dma_start3A_1164 = arith.constant 0 : i32
        %dma_start3A_1165 = tpu.memref_slice %arg5[%dma_start3A_1164, %multiple_of3A_1159] : memref<32x1000000xf32, #tpu.memory_space<hbm>> -> memref<32x128xf32, #tpu.memory_space<hbm>>
        %dma_start3A_1166 = arith.constant 0 : i32
        %dma_start3A_1167 = tpu.memref_slice %arg5[%dma_start3A_1166, %multiple_of3A_1159] : memref<32x1000000xf32, #tpu.memory_space<hbm>> -> memref<32x128xf32, #tpu.memory_space<hbm>>
        tpu.enqueue_dma source(%dma_start3A_1167 : memref<32x128xf32, #tpu.memory_space<hbm>>) target(%arg19 : memref<32x128xf32, #tpu.memory_space<vmem>>) target_semaphore(%arg35 : memref<!tpu.dma_semaphore, #tpu.memory_space<semaphore_mem>>)
      } else {
      }
      %mul3A_701 = arith.mulf %gather3A_687, %gather3A_692 : vector<16xf32>
      %mul3A_702 = arith.mulf %gather3A_691, %gather3A_696 : vector<16xf32>
      %add3A_703 = arith.addf %mul3A_701, %mul3A_702 : vector<16xf32>
      %swap3A_704 = arith.constant 128 : index
      %swap3A_705 = tpu.vector_load %arg9[%swap3A_704] {strides = array<i32>} : memref<256xf32, #tpu.memory_space<vmem>>, vector<16xf32>,
      tpu.vector_store %arg9[%swap3A_704], %add3A_703 {strides = array<i32>} : memref<256xf32, #tpu.memory_space<vmem>>, vector<16xf32>,
      %dma_wait3A_706 = arith.constant 0 : i32
      %dma_wait3A_707 = arith.constant 0 : i32
      %dma_wait3A_708 = tpu.memref_slice %arg4[%dma_wait3A_706, %dma_wait3A_707] : memref<32x1000000xf32, #tpu.memory_space<hbm>> -> memref<32x128xf32, #tpu.memory_space<hbm>>
      %dma_wait3A_709 = arith.constant 0 : i32
      %dma_wait3A_710 = arith.constant 0 : i32
      %dma_wait3A_711 = tpu.memref_slice %arg4[%dma_wait3A_709, %dma_wait3A_710] : memref<32x1000000xf32, #tpu.memory_space<hbm>> -> memref<32x128xf32, #tpu.memory_space<hbm>>
      tpu.wait_dma2 semaphore(%arg28 : memref<!tpu.dma_semaphore, #tpu.memory_space<semaphore_mem>>) src(%dma_wait3A_711 : memref<32x128xf32, #tpu.memory_space<hbm>>) dst(%arg12 : memref<32x128xf32, #tpu.memory_space<vmem>>)
      %dma_wait3A_712 = arith.constant 0 : i32
      %dma_wait3A_713 = arith.constant 0 : i32
      %dma_wait3A_714 = tpu.memref_slice %arg5[%dma_wait3A_712, %dma_wait3A_713] : memref<32x1000000xf32, #tpu.memory_space<hbm>> -> memref<32x128xf32, #tpu.memory_space<hbm>>
      %dma_wait3A_715 = arith.constant 0 : i32
      %dma_wait3A_716 = arith.constant 0 : i32
      %dma_wait3A_717 = tpu.memref_slice %arg5[%dma_wait3A_715, %dma_wait3A_716] : memref<32x1000000xf32, #tpu.memory_space<hbm>> -> memref<32x128xf32, #tpu.memory_space<hbm>>
      tpu.wait_dma2 semaphore(%arg36 : memref<!tpu.dma_semaphore, #tpu.memory_space<semaphore_mem>>) src(%dma_wait3A_717 : memref<32x128xf32, #tpu.memory_space<hbm>>) dst(%arg20 : memref<32x128xf32, #tpu.memory_space<vmem>>)
      %slice3A_718 = vector.extract_strided_slice %get3A_186 {offsets = [9], sizes = [1], strides = [1]} : vector<16xi32> to vector<1xi32>
      %squeeze3A_719 = vector.extract %slice3A_718[0] : i32 from vector<1xi32>
      %and3A_720 = arith.constant 127 : i32
      %and3A_721 = arith.andi %squeeze3A_719, %and3A_720 : i32
      %slice3A_722 = vector.extract_strided_slice %get3A_188 {offsets = [9], sizes = [1], strides = [1]} : vector<16xi32> to vector<1xi32>
      %squeeze3A_723 = vector.extract %slice3A_722[0] : i32 from vector<1xi32>
      %and3A_724 = arith.constant 127 : i32
      %and3A_725 = arith.andi %squeeze3A_723, %and3A_724 : i32
      %broadcast_in_dim3A_726 = vector.broadcast %and3A_721 : i32 to vector<16xi32>
      %broadcast_in_dim3A_727 = vector.broadcast %and3A_725 : i32 to vector<16xi32>
      %gather3A_728 = tpu.vector_load_idx %arg12[%iota3A, %broadcast_in_dim3A_726] : memref<32x128xf32, #tpu.memory_space<vmem>>[vector<16xi32>, vector<16xi32>], vector<16xf32>,
      %add3A_729 = arith.constant 16 : i32
      %add3A_730 = vector.broadcast %add3A_729 : i32 to vector<16xi32>
      %add3A_731 = arith.addi %iota3A, %add3A_730 : vector<16xi32>
      %gather3A_732 = tpu.vector_load_idx %arg12[%add3A_731, %broadcast_in_dim3A_726] : memref<32x128xf32, #tpu.memory_space<vmem>>[vector<16xi32>, vector<16xi32>], vector<16xf32>,
      %gather3A_733 = tpu.vector_load_idx %arg20[%iota3A, %broadcast_in_dim3A_727] : memref<32x128xf32, #tpu.memory_space<vmem>>[vector<16xi32>, vector<16xi32>], vector<16xf32>,
      %add3A_734 = arith.constant 16 : i32
      %add3A_735 = vector.broadcast %add3A_734 : i32 to vector<16xi32>
      %add3A_736 = arith.addi %iota3A, %add3A_735 : vector<16xi32>
      %gather3A_737 = tpu.vector_load_idx %arg20[%add3A_736, %broadcast_in_dim3A_727] : memref<32x128xf32, #tpu.memory_space<vmem>>[vector<16xi32>, vector<16xi32>], vector<16xf32>,
      %add3A_738 = arith.constant 1 : i32
      %add3A_739 = arith.addi %scan3A_182, %add3A_738 : i32
      %lt3A_740 = arith.constant 32 : i32
      %lt3A_741 = arith.cmpi slt, %add3A_739, %lt3A_740 : i32
      %convert_element_type3A_742 = arith.extui %lt3A_741 : i1 to i32
      %cond3A_743 = arith.constant 0 : i32
      %cond3A_744 = arith.cmpi ne, %convert_element_type3A_742, %cond3A_743 : i32
      scf.if %cond3A_744 {
        %slice3A_1146 = vector.extract_strided_slice %get3A_195 {offsets = [1], sizes = [1], strides = [1]} : vector<16xi32> to vector<1xi32>
        %squeeze3A_1147 = vector.extract %slice3A_1146[0] : i32 from vector<1xi32>
        %slice3A_1148 = vector.extract_strided_slice %get3A_197 {offsets = [1], sizes = [1], strides = [1]} : vector<16xi32> to vector<1xi32>
        %squeeze3A_1149 = vector.extract %slice3A_1148[0] : i32 from vector<1xi32>
        %shift_right_arithmetic3A_1150 = arith.constant 7 : i32
        %shift_right_arithmetic3A_1151 = arith.shrsi %squeeze3A_1147, %shift_right_arithmetic3A_1150 : i32
        %mul3A_1152 = arith.constant 128 : i32
        %mul3A_1153 = arith.muli %shift_right_arithmetic3A_1151, %mul3A_1152 : i32
        %multiple_of3A_1154 = tpu.assume_multiple %mul3A_1153, 128 : i32
        %shift_right_arithmetic3A_1155 = arith.constant 7 : i32
        %shift_right_arithmetic3A_1156 = arith.shrsi %squeeze3A_1149, %shift_right_arithmetic3A_1155 : i32
        %mul3A_1157 = arith.constant 128 : i32
        %mul3A_1158 = arith.muli %shift_right_arithmetic3A_1156, %mul3A_1157 : i32
        %multiple_of3A_1159 = tpu.assume_multiple %mul3A_1158, 128 : i32
        %dma_start3A_1160 = arith.constant 0 : i32
        %dma_start3A_1161 = tpu.memref_slice %arg4[%dma_start3A_1160, %multiple_of3A_1154] : memref<32x1000000xf32, #tpu.memory_space<hbm>> -> memref<32x128xf32, #tpu.memory_space<hbm>>
        %dma_start3A_1162 = arith.constant 0 : i32
        %dma_start3A_1163 = tpu.memref_slice %arg4[%dma_start3A_1162, %multiple_of3A_1154] : memref<32x1000000xf32, #tpu.memory_space<hbm>> -> memref<32x128xf32, #tpu.memory_space<hbm>>
        tpu.enqueue_dma source(%dma_start3A_1163 : memref<32x128xf32, #tpu.memory_space<hbm>>) target(%arg12 : memref<32x128xf32, #tpu.memory_space<vmem>>) target_semaphore(%arg28 : memref<!tpu.dma_semaphore, #tpu.memory_space<semaphore_mem>>)
        %dma_start3A_1164 = arith.constant 0 : i32
        %dma_start3A_1165 = tpu.memref_slice %arg5[%dma_start3A_1164, %multiple_of3A_1159] : memref<32x1000000xf32, #tpu.memory_space<hbm>> -> memref<32x128xf32, #tpu.memory_space<hbm>>
        %dma_start3A_1166 = arith.constant 0 : i32
        %dma_start3A_1167 = tpu.memref_slice %arg5[%dma_start3A_1166, %multiple_of3A_1159] : memref<32x1000000xf32, #tpu.memory_space<hbm>> -> memref<32x128xf32, #tpu.memory_space<hbm>>
        tpu.enqueue_dma source(%dma_start3A_1167 : memref<32x128xf32, #tpu.memory_space<hbm>>) target(%arg20 : memref<32x128xf32, #tpu.memory_space<vmem>>) target_semaphore(%arg36 : memref<!tpu.dma_semaphore, #tpu.memory_space<semaphore_mem>>)
      } else {
      }
      %mul3A_745 = arith.mulf %gather3A_728, %gather3A_733 : vector<16xf32>
      %mul3A_746 = arith.mulf %gather3A_732, %gather3A_737 : vector<16xf32>
      %add3A_747 = arith.addf %mul3A_745, %mul3A_746 : vector<16xf32>
      %swap3A_748 = arith.constant 144 : index
      %swap3A_749 = tpu.vector_load %arg9[%swap3A_748] {strides = array<i32>} : memref<256xf32, #tpu.memory_space<vmem>>, vector<16xf32>,
      tpu.vector_store %arg9[%swap3A_748], %add3A_747 {strides = array<i32>} : memref<256xf32, #tpu.memory_space<vmem>>, vector<16xf32>,
      %dma_wait3A_750 = arith.constant 0 : i32
      %dma_wait3A_751 = arith.constant 0 : i32
      %dma_wait3A_752 = tpu.memref_slice %arg4[%dma_wait3A_750, %dma_wait3A_751] : memref<32x1000000xf32, #tpu.memory_space<hbm>> -> memref<32x128xf32, #tpu.memory_space<hbm>>
      %dma_wait3A_753 = arith.constant 0 : i32
      %dma_wait3A_754 = arith.constant 0 : i32
      %dma_wait3A_755 = tpu.memref_slice %arg4[%dma_wait3A_753, %dma_wait3A_754] : memref<32x1000000xf32, #tpu.memory_space<hbm>> -> memref<32x128xf32, #tpu.memory_space<hbm>>
      tpu.wait_dma2 semaphore(%arg29 : memref<!tpu.dma_semaphore, #tpu.memory_space<semaphore_mem>>) src(%dma_wait3A_755 : memref<32x128xf32, #tpu.memory_space<hbm>>) dst(%arg13 : memref<32x128xf32, #tpu.memory_space<vmem>>)
      %dma_wait3A_756 = arith.constant 0 : i32
      %dma_wait3A_757 = arith.constant 0 : i32
      %dma_wait3A_758 = tpu.memref_slice %arg5[%dma_wait3A_756, %dma_wait3A_757] : memref<32x1000000xf32, #tpu.memory_space<hbm>> -> memref<32x128xf32, #tpu.memory_space<hbm>>
      %dma_wait3A_759 = arith.constant 0 : i32
      %dma_wait3A_760 = arith.constant 0 : i32
      %dma_wait3A_761 = tpu.memref_slice %arg5[%dma_wait3A_759, %dma_wait3A_760] : memref<32x1000000xf32, #tpu.memory_space<hbm>> -> memref<32x128xf32, #tpu.memory_space<hbm>>
      tpu.wait_dma2 semaphore(%arg37 : memref<!tpu.dma_semaphore, #tpu.memory_space<semaphore_mem>>) src(%dma_wait3A_761 : memref<32x128xf32, #tpu.memory_space<hbm>>) dst(%arg21 : memref<32x128xf32, #tpu.memory_space<vmem>>)
      %slice3A_762 = vector.extract_strided_slice %get3A_186 {offsets = [10], sizes = [1], strides = [1]} : vector<16xi32> to vector<1xi32>
      %squeeze3A_763 = vector.extract %slice3A_762[0] : i32 from vector<1xi32>
      %and3A_764 = arith.constant 127 : i32
      %and3A_765 = arith.andi %squeeze3A_763, %and3A_764 : i32
      %slice3A_766 = vector.extract_strided_slice %get3A_188 {offsets = [10], sizes = [1], strides = [1]} : vector<16xi32> to vector<1xi32>
      %squeeze3A_767 = vector.extract %slice3A_766[0] : i32 from vector<1xi32>
      %and3A_768 = arith.constant 127 : i32
      %and3A_769 = arith.andi %squeeze3A_767, %and3A_768 : i32
      %broadcast_in_dim3A_770 = vector.broadcast %and3A_765 : i32 to vector<16xi32>
      %broadcast_in_dim3A_771 = vector.broadcast %and3A_769 : i32 to vector<16xi32>
      %gather3A_772 = tpu.vector_load_idx %arg13[%iota3A, %broadcast_in_dim3A_770] : memref<32x128xf32, #tpu.memory_space<vmem>>[vector<16xi32>, vector<16xi32>], vector<16xf32>,
      %add3A_773 = arith.constant 16 : i32
      %add3A_774 = vector.broadcast %add3A_773 : i32 to vector<16xi32>
      %add3A_775 = arith.addi %iota3A, %add3A_774 : vector<16xi32>
      %gather3A_776 = tpu.vector_load_idx %arg13[%add3A_775, %broadcast_in_dim3A_770] : memref<32x128xf32, #tpu.memory_space<vmem>>[vector<16xi32>, vector<16xi32>], vector<16xf32>,
      %gather3A_777 = tpu.vector_load_idx %arg21[%iota3A, %broadcast_in_dim3A_771] : memref<32x128xf32, #tpu.memory_space<vmem>>[vector<16xi32>, vector<16xi32>], vector<16xf32>,
      %add3A_778 = arith.constant 16 : i32
      %add3A_779 = vector.broadcast %add3A_778 : i32 to vector<16xi32>
      %add3A_780 = arith.addi %iota3A, %add3A_779 : vector<16xi32>
      %gather3A_781 = tpu.vector_load_idx %arg21[%add3A_780, %broadcast_in_dim3A_771] : memref<32x128xf32, #tpu.memory_space<vmem>>[vector<16xi32>, vector<16xi32>], vector<16xf32>,
      %add3A_782 = arith.constant 1 : i32
      %add3A_783 = arith.addi %scan3A_182, %add3A_782 : i32
      %lt3A_784 = arith.constant 32 : i32
      %lt3A_785 = arith.cmpi slt, %add3A_783, %lt3A_784 : i32
      %convert_element_type3A_786 = arith.extui %lt3A_785 : i1 to i32
      %cond3A_787 = arith.constant 0 : i32
      %cond3A_788 = arith.cmpi ne, %convert_element_type3A_786, %cond3A_787 : i32
      scf.if %cond3A_788 {
        %slice3A_1146 = vector.extract_strided_slice %get3A_195 {offsets = [2], sizes = [1], strides = [1]} : vector<16xi32> to vector<1xi32>
        %squeeze3A_1147 = vector.extract %slice3A_1146[0] : i32 from vector<1xi32>
        %slice3A_1148 = vector.extract_strided_slice %get3A_197 {offsets = [2], sizes = [1], strides = [1]} : vector<16xi32> to vector<1xi32>
        %squeeze3A_1149 = vector.extract %slice3A_1148[0] : i32 from vector<1xi32>
        %shift_right_arithmetic3A_1150 = arith.constant 7 : i32
        %shift_right_arithmetic3A_1151 = arith.shrsi %squeeze3A_1147, %shift_right_arithmetic3A_1150 : i32
        %mul3A_1152 = arith.constant 128 : i32
        %mul3A_1153 = arith.muli %shift_right_arithmetic3A_1151, %mul3A_1152 : i32
        %multiple_of3A_1154 = tpu.assume_multiple %mul3A_1153, 128 : i32
        %shift_right_arithmetic3A_1155 = arith.constant 7 : i32
        %shift_right_arithmetic3A_1156 = arith.shrsi %squeeze3A_1149, %shift_right_arithmetic3A_1155 : i32
        %mul3A_1157 = arith.constant 128 : i32
        %mul3A_1158 = arith.muli %shift_right_arithmetic3A_1156, %mul3A_1157 : i32
        %multiple_of3A_1159 = tpu.assume_multiple %mul3A_1158, 128 : i32
        %dma_start3A_1160 = arith.constant 0 : i32
        %dma_start3A_1161 = tpu.memref_slice %arg4[%dma_start3A_1160, %multiple_of3A_1154] : memref<32x1000000xf32, #tpu.memory_space<hbm>> -> memref<32x128xf32, #tpu.memory_space<hbm>>
        %dma_start3A_1162 = arith.constant 0 : i32
        %dma_start3A_1163 = tpu.memref_slice %arg4[%dma_start3A_1162, %multiple_of3A_1154] : memref<32x1000000xf32, #tpu.memory_space<hbm>> -> memref<32x128xf32, #tpu.memory_space<hbm>>
        tpu.enqueue_dma source(%dma_start3A_1163 : memref<32x128xf32, #tpu.memory_space<hbm>>) target(%arg13 : memref<32x128xf32, #tpu.memory_space<vmem>>) target_semaphore(%arg29 : memref<!tpu.dma_semaphore, #tpu.memory_space<semaphore_mem>>)
        %dma_start3A_1164 = arith.constant 0 : i32
        %dma_start3A_1165 = tpu.memref_slice %arg5[%dma_start3A_1164, %multiple_of3A_1159] : memref<32x1000000xf32, #tpu.memory_space<hbm>> -> memref<32x128xf32, #tpu.memory_space<hbm>>
        %dma_start3A_1166 = arith.constant 0 : i32
        %dma_start3A_1167 = tpu.memref_slice %arg5[%dma_start3A_1166, %multiple_of3A_1159] : memref<32x1000000xf32, #tpu.memory_space<hbm>> -> memref<32x128xf32, #tpu.memory_space<hbm>>
        tpu.enqueue_dma source(%dma_start3A_1167 : memref<32x128xf32, #tpu.memory_space<hbm>>) target(%arg21 : memref<32x128xf32, #tpu.memory_space<vmem>>) target_semaphore(%arg37 : memref<!tpu.dma_semaphore, #tpu.memory_space<semaphore_mem>>)
      } else {
      }
      %mul3A_789 = arith.mulf %gather3A_772, %gather3A_777 : vector<16xf32>
      %mul3A_790 = arith.mulf %gather3A_776, %gather3A_781 : vector<16xf32>
      %add3A_791 = arith.addf %mul3A_789, %mul3A_790 : vector<16xf32>
      %swap3A_792 = arith.constant 160 : index
      %swap3A_793 = tpu.vector_load %arg9[%swap3A_792] {strides = array<i32>} : memref<256xf32, #tpu.memory_space<vmem>>, vector<16xf32>,
      tpu.vector_store %arg9[%swap3A_792], %add3A_791 {strides = array<i32>} : memref<256xf32, #tpu.memory_space<vmem>>, vector<16xf32>,
      %dma_wait3A_794 = arith.constant 0 : i32
      %dma_wait3A_795 = arith.constant 0 : i32
      %dma_wait3A_796 = tpu.memref_slice %arg4[%dma_wait3A_794, %dma_wait3A_795] : memref<32x1000000xf32, #tpu.memory_space<hbm>> -> memref<32x128xf32, #tpu.memory_space<hbm>>
      %dma_wait3A_797 = arith.constant 0 : i32
      %dma_wait3A_798 = arith.constant 0 : i32
      %dma_wait3A_799 = tpu.memref_slice %arg4[%dma_wait3A_797, %dma_wait3A_798] : memref<32x1000000xf32, #tpu.memory_space<hbm>> -> memref<32x128xf32, #tpu.memory_space<hbm>>
      tpu.wait_dma2 semaphore(%arg30 : memref<!tpu.dma_semaphore, #tpu.memory_space<semaphore_mem>>) src(%dma_wait3A_799 : memref<32x128xf32, #tpu.memory_space<hbm>>) dst(%arg14 : memref<32x128xf32, #tpu.memory_space<vmem>>)
      %dma_wait3A_800 = arith.constant 0 : i32
      %dma_wait3A_801 = arith.constant 0 : i32
      %dma_wait3A_802 = tpu.memref_slice %arg5[%dma_wait3A_800, %dma_wait3A_801] : memref<32x1000000xf32, #tpu.memory_space<hbm>> -> memref<32x128xf32, #tpu.memory_space<hbm>>
      %dma_wait3A_803 = arith.constant 0 : i32
      %dma_wait3A_804 = arith.constant 0 : i32
      %dma_wait3A_805 = tpu.memref_slice %arg5[%dma_wait3A_803, %dma_wait3A_804] : memref<32x1000000xf32, #tpu.memory_space<hbm>> -> memref<32x128xf32, #tpu.memory_space<hbm>>
      tpu.wait_dma2 semaphore(%arg38 : memref<!tpu.dma_semaphore, #tpu.memory_space<semaphore_mem>>) src(%dma_wait3A_805 : memref<32x128xf32, #tpu.memory_space<hbm>>) dst(%arg22 : memref<32x128xf32, #tpu.memory_space<vmem>>)
      %slice3A_806 = vector.extract_strided_slice %get3A_186 {offsets = [11], sizes = [1], strides = [1]} : vector<16xi32> to vector<1xi32>
      %squeeze3A_807 = vector.extract %slice3A_806[0] : i32 from vector<1xi32>
      %and3A_808 = arith.constant 127 : i32
      %and3A_809 = arith.andi %squeeze3A_807, %and3A_808 : i32
      %slice3A_810 = vector.extract_strided_slice %get3A_188 {offsets = [11], sizes = [1], strides = [1]} : vector<16xi32> to vector<1xi32>
      %squeeze3A_811 = vector.extract %slice3A_810[0] : i32 from vector<1xi32>
      %and3A_812 = arith.constant 127 : i32
      %and3A_813 = arith.andi %squeeze3A_811, %and3A_812 : i32
      %broadcast_in_dim3A_814 = vector.broadcast %and3A_809 : i32 to vector<16xi32>
      %broadcast_in_dim3A_815 = vector.broadcast %and3A_813 : i32 to vector<16xi32>
      %gather3A_816 = tpu.vector_load_idx %arg14[%iota3A, %broadcast_in_dim3A_814] : memref<32x128xf32, #tpu.memory_space<vmem>>[vector<16xi32>, vector<16xi32>], vector<16xf32>,
      %add3A_817 = arith.constant 16 : i32
      %add3A_818 = vector.broadcast %add3A_817 : i32 to vector<16xi32>
      %add3A_819 = arith.addi %iota3A, %add3A_818 : vector<16xi32>
      %gather3A_820 = tpu.vector_load_idx %arg14[%add3A_819, %broadcast_in_dim3A_814] : memref<32x128xf32, #tpu.memory_space<vmem>>[vector<16xi32>, vector<16xi32>], vector<16xf32>,
      %gather3A_821 = tpu.vector_load_idx %arg22[%iota3A, %broadcast_in_dim3A_815] : memref<32x128xf32, #tpu.memory_space<vmem>>[vector<16xi32>, vector<16xi32>], vector<16xf32>,
      %add3A_822 = arith.constant 16 : i32
      %add3A_823 = vector.broadcast %add3A_822 : i32 to vector<16xi32>
      %add3A_824 = arith.addi %iota3A, %add3A_823 : vector<16xi32>
      %gather3A_825 = tpu.vector_load_idx %arg22[%add3A_824, %broadcast_in_dim3A_815] : memref<32x128xf32, #tpu.memory_space<vmem>>[vector<16xi32>, vector<16xi32>], vector<16xf32>,
      %add3A_826 = arith.constant 1 : i32
      %add3A_827 = arith.addi %scan3A_182, %add3A_826 : i32
      %lt3A_828 = arith.constant 32 : i32
      %lt3A_829 = arith.cmpi slt, %add3A_827, %lt3A_828 : i32
      %convert_element_type3A_830 = arith.extui %lt3A_829 : i1 to i32
      %cond3A_831 = arith.constant 0 : i32
      %cond3A_832 = arith.cmpi ne, %convert_element_type3A_830, %cond3A_831 : i32
      scf.if %cond3A_832 {
        %slice3A_1146 = vector.extract_strided_slice %get3A_195 {offsets = [3], sizes = [1], strides = [1]} : vector<16xi32> to vector<1xi32>
        %squeeze3A_1147 = vector.extract %slice3A_1146[0] : i32 from vector<1xi32>
        %slice3A_1148 = vector.extract_strided_slice %get3A_197 {offsets = [3], sizes = [1], strides = [1]} : vector<16xi32> to vector<1xi32>
        %squeeze3A_1149 = vector.extract %slice3A_1148[0] : i32 from vector<1xi32>
        %shift_right_arithmetic3A_1150 = arith.constant 7 : i32
        %shift_right_arithmetic3A_1151 = arith.shrsi %squeeze3A_1147, %shift_right_arithmetic3A_1150 : i32
        %mul3A_1152 = arith.constant 128 : i32
        %mul3A_1153 = arith.muli %shift_right_arithmetic3A_1151, %mul3A_1152 : i32
        %multiple_of3A_1154 = tpu.assume_multiple %mul3A_1153, 128 : i32
        %shift_right_arithmetic3A_1155 = arith.constant 7 : i32
        %shift_right_arithmetic3A_1156 = arith.shrsi %squeeze3A_1149, %shift_right_arithmetic3A_1155 : i32
        %mul3A_1157 = arith.constant 128 : i32
        %mul3A_1158 = arith.muli %shift_right_arithmetic3A_1156, %mul3A_1157 : i32
        %multiple_of3A_1159 = tpu.assume_multiple %mul3A_1158, 128 : i32
        %dma_start3A_1160 = arith.constant 0 : i32
        %dma_start3A_1161 = tpu.memref_slice %arg4[%dma_start3A_1160, %multiple_of3A_1154] : memref<32x1000000xf32, #tpu.memory_space<hbm>> -> memref<32x128xf32, #tpu.memory_space<hbm>>
        %dma_start3A_1162 = arith.constant 0 : i32
        %dma_start3A_1163 = tpu.memref_slice %arg4[%dma_start3A_1162, %multiple_of3A_1154] : memref<32x1000000xf32, #tpu.memory_space<hbm>> -> memref<32x128xf32, #tpu.memory_space<hbm>>
        tpu.enqueue_dma source(%dma_start3A_1163 : memref<32x128xf32, #tpu.memory_space<hbm>>) target(%arg14 : memref<32x128xf32, #tpu.memory_space<vmem>>) target_semaphore(%arg30 : memref<!tpu.dma_semaphore, #tpu.memory_space<semaphore_mem>>)
        %dma_start3A_1164 = arith.constant 0 : i32
        %dma_start3A_1165 = tpu.memref_slice %arg5[%dma_start3A_1164, %multiple_of3A_1159] : memref<32x1000000xf32, #tpu.memory_space<hbm>> -> memref<32x128xf32, #tpu.memory_space<hbm>>
        %dma_start3A_1166 = arith.constant 0 : i32
        %dma_start3A_1167 = tpu.memref_slice %arg5[%dma_start3A_1166, %multiple_of3A_1159] : memref<32x1000000xf32, #tpu.memory_space<hbm>> -> memref<32x128xf32, #tpu.memory_space<hbm>>
        tpu.enqueue_dma source(%dma_start3A_1167 : memref<32x128xf32, #tpu.memory_space<hbm>>) target(%arg22 : memref<32x128xf32, #tpu.memory_space<vmem>>) target_semaphore(%arg38 : memref<!tpu.dma_semaphore, #tpu.memory_space<semaphore_mem>>)
      } else {
      }
      %mul3A_833 = arith.mulf %gather3A_816, %gather3A_821 : vector<16xf32>
      %mul3A_834 = arith.mulf %gather3A_820, %gather3A_825 : vector<16xf32>
      %add3A_835 = arith.addf %mul3A_833, %mul3A_834 : vector<16xf32>
      %swap3A_836 = arith.constant 176 : index
      %swap3A_837 = tpu.vector_load %arg9[%swap3A_836] {strides = array<i32>} : memref<256xf32, #tpu.memory_space<vmem>>, vector<16xf32>,
      tpu.vector_store %arg9[%swap3A_836], %add3A_835 {strides = array<i32>} : memref<256xf32, #tpu.memory_space<vmem>>, vector<16xf32>,
      %dma_wait3A_838 = arith.constant 0 : i32
      %dma_wait3A_839 = arith.constant 0 : i32
      %dma_wait3A_840 = tpu.memref_slice %arg4[%dma_wait3A_838, %dma_wait3A_839] : memref<32x1000000xf32, #tpu.memory_space<hbm>> -> memref<32x128xf32, #tpu.memory_space<hbm>>
      %dma_wait3A_841 = arith.constant 0 : i32
      %dma_wait3A_842 = arith.constant 0 : i32
      %dma_wait3A_843 = tpu.memref_slice %arg4[%dma_wait3A_841, %dma_wait3A_842] : memref<32x1000000xf32, #tpu.memory_space<hbm>> -> memref<32x128xf32, #tpu.memory_space<hbm>>
      tpu.wait_dma2 semaphore(%arg31 : memref<!tpu.dma_semaphore, #tpu.memory_space<semaphore_mem>>) src(%dma_wait3A_843 : memref<32x128xf32, #tpu.memory_space<hbm>>) dst(%arg15 : memref<32x128xf32, #tpu.memory_space<vmem>>)
      %dma_wait3A_844 = arith.constant 0 : i32
      %dma_wait3A_845 = arith.constant 0 : i32
      %dma_wait3A_846 = tpu.memref_slice %arg5[%dma_wait3A_844, %dma_wait3A_845] : memref<32x1000000xf32, #tpu.memory_space<hbm>> -> memref<32x128xf32, #tpu.memory_space<hbm>>
      %dma_wait3A_847 = arith.constant 0 : i32
      %dma_wait3A_848 = arith.constant 0 : i32
      %dma_wait3A_849 = tpu.memref_slice %arg5[%dma_wait3A_847, %dma_wait3A_848] : memref<32x1000000xf32, #tpu.memory_space<hbm>> -> memref<32x128xf32, #tpu.memory_space<hbm>>
      tpu.wait_dma2 semaphore(%arg39 : memref<!tpu.dma_semaphore, #tpu.memory_space<semaphore_mem>>) src(%dma_wait3A_849 : memref<32x128xf32, #tpu.memory_space<hbm>>) dst(%arg23 : memref<32x128xf32, #tpu.memory_space<vmem>>)
      %slice3A_850 = vector.extract_strided_slice %get3A_186 {offsets = [12], sizes = [1], strides = [1]} : vector<16xi32> to vector<1xi32>
      %squeeze3A_851 = vector.extract %slice3A_850[0] : i32 from vector<1xi32>
      %and3A_852 = arith.constant 127 : i32
      %and3A_853 = arith.andi %squeeze3A_851, %and3A_852 : i32
      %slice3A_854 = vector.extract_strided_slice %get3A_188 {offsets = [12], sizes = [1], strides = [1]} : vector<16xi32> to vector<1xi32>
      %squeeze3A_855 = vector.extract %slice3A_854[0] : i32 from vector<1xi32>
      %and3A_856 = arith.constant 127 : i32
      %and3A_857 = arith.andi %squeeze3A_855, %and3A_856 : i32
      %broadcast_in_dim3A_858 = vector.broadcast %and3A_853 : i32 to vector<16xi32>
      %broadcast_in_dim3A_859 = vector.broadcast %and3A_857 : i32 to vector<16xi32>
      %gather3A_860 = tpu.vector_load_idx %arg15[%iota3A, %broadcast_in_dim3A_858] : memref<32x128xf32, #tpu.memory_space<vmem>>[vector<16xi32>, vector<16xi32>], vector<16xf32>,
      %add3A_861 = arith.constant 16 : i32
      %add3A_862 = vector.broadcast %add3A_861 : i32 to vector<16xi32>
      %add3A_863 = arith.addi %iota3A, %add3A_862 : vector<16xi32>
      %gather3A_864 = tpu.vector_load_idx %arg15[%add3A_863, %broadcast_in_dim3A_858] : memref<32x128xf32, #tpu.memory_space<vmem>>[vector<16xi32>, vector<16xi32>], vector<16xf32>,
      %gather3A_865 = tpu.vector_load_idx %arg23[%iota3A, %broadcast_in_dim3A_859] : memref<32x128xf32, #tpu.memory_space<vmem>>[vector<16xi32>, vector<16xi32>], vector<16xf32>,
      %add3A_866 = arith.constant 16 : i32
      %add3A_867 = vector.broadcast %add3A_866 : i32 to vector<16xi32>
      %add3A_868 = arith.addi %iota3A, %add3A_867 : vector<16xi32>
      %gather3A_869 = tpu.vector_load_idx %arg23[%add3A_868, %broadcast_in_dim3A_859] : memref<32x128xf32, #tpu.memory_space<vmem>>[vector<16xi32>, vector<16xi32>], vector<16xf32>,
      %add3A_870 = arith.constant 1 : i32
      %add3A_871 = arith.addi %scan3A_182, %add3A_870 : i32
      %lt3A_872 = arith.constant 32 : i32
      %lt3A_873 = arith.cmpi slt, %add3A_871, %lt3A_872 : i32
      %convert_element_type3A_874 = arith.extui %lt3A_873 : i1 to i32
      %cond3A_875 = arith.constant 0 : i32
      %cond3A_876 = arith.cmpi ne, %convert_element_type3A_874, %cond3A_875 : i32
      scf.if %cond3A_876 {
        %slice3A_1146 = vector.extract_strided_slice %get3A_195 {offsets = [4], sizes = [1], strides = [1]} : vector<16xi32> to vector<1xi32>
        %squeeze3A_1147 = vector.extract %slice3A_1146[0] : i32 from vector<1xi32>
        %slice3A_1148 = vector.extract_strided_slice %get3A_197 {offsets = [4], sizes = [1], strides = [1]} : vector<16xi32> to vector<1xi32>
        %squeeze3A_1149 = vector.extract %slice3A_1148[0] : i32 from vector<1xi32>
        %shift_right_arithmetic3A_1150 = arith.constant 7 : i32
        %shift_right_arithmetic3A_1151 = arith.shrsi %squeeze3A_1147, %shift_right_arithmetic3A_1150 : i32
        %mul3A_1152 = arith.constant 128 : i32
        %mul3A_1153 = arith.muli %shift_right_arithmetic3A_1151, %mul3A_1152 : i32
        %multiple_of3A_1154 = tpu.assume_multiple %mul3A_1153, 128 : i32
        %shift_right_arithmetic3A_1155 = arith.constant 7 : i32
        %shift_right_arithmetic3A_1156 = arith.shrsi %squeeze3A_1149, %shift_right_arithmetic3A_1155 : i32
        %mul3A_1157 = arith.constant 128 : i32
        %mul3A_1158 = arith.muli %shift_right_arithmetic3A_1156, %mul3A_1157 : i32
        %multiple_of3A_1159 = tpu.assume_multiple %mul3A_1158, 128 : i32
        %dma_start3A_1160 = arith.constant 0 : i32
        %dma_start3A_1161 = tpu.memref_slice %arg4[%dma_start3A_1160, %multiple_of3A_1154] : memref<32x1000000xf32, #tpu.memory_space<hbm>> -> memref<32x128xf32, #tpu.memory_space<hbm>>
        %dma_start3A_1162 = arith.constant 0 : i32
        %dma_start3A_1163 = tpu.memref_slice %arg4[%dma_start3A_1162, %multiple_of3A_1154] : memref<32x1000000xf32, #tpu.memory_space<hbm>> -> memref<32x128xf32, #tpu.memory_space<hbm>>
        tpu.enqueue_dma source(%dma_start3A_1163 : memref<32x128xf32, #tpu.memory_space<hbm>>) target(%arg15 : memref<32x128xf32, #tpu.memory_space<vmem>>) target_semaphore(%arg31 : memref<!tpu.dma_semaphore, #tpu.memory_space<semaphore_mem>>)
        %dma_start3A_1164 = arith.constant 0 : i32
        %dma_start3A_1165 = tpu.memref_slice %arg5[%dma_start3A_1164, %multiple_of3A_1159] : memref<32x1000000xf32, #tpu.memory_space<hbm>> -> memref<32x128xf32, #tpu.memory_space<hbm>>
        %dma_start3A_1166 = arith.constant 0 : i32
        %dma_start3A_1167 = tpu.memref_slice %arg5[%dma_start3A_1166, %multiple_of3A_1159] : memref<32x1000000xf32, #tpu.memory_space<hbm>> -> memref<32x128xf32, #tpu.memory_space<hbm>>
        tpu.enqueue_dma source(%dma_start3A_1167 : memref<32x128xf32, #tpu.memory_space<hbm>>) target(%arg23 : memref<32x128xf32, #tpu.memory_space<vmem>>) target_semaphore(%arg39 : memref<!tpu.dma_semaphore, #tpu.memory_space<semaphore_mem>>)
      } else {
      }
      %mul3A_877 = arith.mulf %gather3A_860, %gather3A_865 : vector<16xf32>
      %mul3A_878 = arith.mulf %gather3A_864, %gather3A_869 : vector<16xf32>
      %add3A_879 = arith.addf %mul3A_877, %mul3A_878 : vector<16xf32>
      %swap3A_880 = arith.constant 192 : index
      %swap3A_881 = tpu.vector_load %arg9[%swap3A_880] {strides = array<i32>} : memref<256xf32, #tpu.memory_space<vmem>>, vector<16xf32>,
      tpu.vector_store %arg9[%swap3A_880], %add3A_879 {strides = array<i32>} : memref<256xf32, #tpu.memory_space<vmem>>, vector<16xf32>,
      %dma_wait3A_882 = arith.constant 0 : i32
      %dma_wait3A_883 = arith.constant 0 : i32
      %dma_wait3A_884 = tpu.memref_slice %arg4[%dma_wait3A_882, %dma_wait3A_883] : memref<32x1000000xf32, #tpu.memory_space<hbm>> -> memref<32x128xf32, #tpu.memory_space<hbm>>
      %dma_wait3A_885 = arith.constant 0 : i32
      %dma_wait3A_886 = arith.constant 0 : i32
      %dma_wait3A_887 = tpu.memref_slice %arg4[%dma_wait3A_885, %dma_wait3A_886] : memref<32x1000000xf32, #tpu.memory_space<hbm>> -> memref<32x128xf32, #tpu.memory_space<hbm>>
      tpu.wait_dma2 semaphore(%arg32 : memref<!tpu.dma_semaphore, #tpu.memory_space<semaphore_mem>>) src(%dma_wait3A_887 : memref<32x128xf32, #tpu.memory_space<hbm>>) dst(%arg16 : memref<32x128xf32, #tpu.memory_space<vmem>>)
      %dma_wait3A_888 = arith.constant 0 : i32
      %dma_wait3A_889 = arith.constant 0 : i32
      %dma_wait3A_890 = tpu.memref_slice %arg5[%dma_wait3A_888, %dma_wait3A_889] : memref<32x1000000xf32, #tpu.memory_space<hbm>> -> memref<32x128xf32, #tpu.memory_space<hbm>>
      %dma_wait3A_891 = arith.constant 0 : i32
      %dma_wait3A_892 = arith.constant 0 : i32
      %dma_wait3A_893 = tpu.memref_slice %arg5[%dma_wait3A_891, %dma_wait3A_892] : memref<32x1000000xf32, #tpu.memory_space<hbm>> -> memref<32x128xf32, #tpu.memory_space<hbm>>
      tpu.wait_dma2 semaphore(%arg40 : memref<!tpu.dma_semaphore, #tpu.memory_space<semaphore_mem>>) src(%dma_wait3A_893 : memref<32x128xf32, #tpu.memory_space<hbm>>) dst(%arg24 : memref<32x128xf32, #tpu.memory_space<vmem>>)
      %slice3A_894 = vector.extract_strided_slice %get3A_186 {offsets = [13], sizes = [1], strides = [1]} : vector<16xi32> to vector<1xi32>
      %squeeze3A_895 = vector.extract %slice3A_894[0] : i32 from vector<1xi32>
      %and3A_896 = arith.constant 127 : i32
      %and3A_897 = arith.andi %squeeze3A_895, %and3A_896 : i32
      %slice3A_898 = vector.extract_strided_slice %get3A_188 {offsets = [13], sizes = [1], strides = [1]} : vector<16xi32> to vector<1xi32>
      %squeeze3A_899 = vector.extract %slice3A_898[0] : i32 from vector<1xi32>
      %and3A_900 = arith.constant 127 : i32
      %and3A_901 = arith.andi %squeeze3A_899, %and3A_900 : i32
      %broadcast_in_dim3A_902 = vector.broadcast %and3A_897 : i32 to vector<16xi32>
      %broadcast_in_dim3A_903 = vector.broadcast %and3A_901 : i32 to vector<16xi32>
      %gather3A_904 = tpu.vector_load_idx %arg16[%iota3A, %broadcast_in_dim3A_902] : memref<32x128xf32, #tpu.memory_space<vmem>>[vector<16xi32>, vector<16xi32>], vector<16xf32>,
      %add3A_905 = arith.constant 16 : i32
      %add3A_906 = vector.broadcast %add3A_905 : i32 to vector<16xi32>
      %add3A_907 = arith.addi %iota3A, %add3A_906 : vector<16xi32>
      %gather3A_908 = tpu.vector_load_idx %arg16[%add3A_907, %broadcast_in_dim3A_902] : memref<32x128xf32, #tpu.memory_space<vmem>>[vector<16xi32>, vector<16xi32>], vector<16xf32>,
      %gather3A_909 = tpu.vector_load_idx %arg24[%iota3A, %broadcast_in_dim3A_903] : memref<32x128xf32, #tpu.memory_space<vmem>>[vector<16xi32>, vector<16xi32>], vector<16xf32>,
      %add3A_910 = arith.constant 16 : i32
      %add3A_911 = vector.broadcast %add3A_910 : i32 to vector<16xi32>
      %add3A_912 = arith.addi %iota3A, %add3A_911 : vector<16xi32>
      %gather3A_913 = tpu.vector_load_idx %arg24[%add3A_912, %broadcast_in_dim3A_903] : memref<32x128xf32, #tpu.memory_space<vmem>>[vector<16xi32>, vector<16xi32>], vector<16xf32>,
      %add3A_914 = arith.constant 1 : i32
      %add3A_915 = arith.addi %scan3A_182, %add3A_914 : i32
      %lt3A_916 = arith.constant 32 : i32
      %lt3A_917 = arith.cmpi slt, %add3A_915, %lt3A_916 : i32
      %convert_element_type3A_918 = arith.extui %lt3A_917 : i1 to i32
      %cond3A_919 = arith.constant 0 : i32
      %cond3A_920 = arith.cmpi ne, %convert_element_type3A_918, %cond3A_919 : i32
      scf.if %cond3A_920 {
        %slice3A_1146 = vector.extract_strided_slice %get3A_195 {offsets = [5], sizes = [1], strides = [1]} : vector<16xi32> to vector<1xi32>
        %squeeze3A_1147 = vector.extract %slice3A_1146[0] : i32 from vector<1xi32>
        %slice3A_1148 = vector.extract_strided_slice %get3A_197 {offsets = [5], sizes = [1], strides = [1]} : vector<16xi32> to vector<1xi32>
        %squeeze3A_1149 = vector.extract %slice3A_1148[0] : i32 from vector<1xi32>
        %shift_right_arithmetic3A_1150 = arith.constant 7 : i32
        %shift_right_arithmetic3A_1151 = arith.shrsi %squeeze3A_1147, %shift_right_arithmetic3A_1150 : i32
        %mul3A_1152 = arith.constant 128 : i32
        %mul3A_1153 = arith.muli %shift_right_arithmetic3A_1151, %mul3A_1152 : i32
        %multiple_of3A_1154 = tpu.assume_multiple %mul3A_1153, 128 : i32
        %shift_right_arithmetic3A_1155 = arith.constant 7 : i32
        %shift_right_arithmetic3A_1156 = arith.shrsi %squeeze3A_1149, %shift_right_arithmetic3A_1155 : i32
        %mul3A_1157 = arith.constant 128 : i32
        %mul3A_1158 = arith.muli %shift_right_arithmetic3A_1156, %mul3A_1157 : i32
        %multiple_of3A_1159 = tpu.assume_multiple %mul3A_1158, 128 : i32
        %dma_start3A_1160 = arith.constant 0 : i32
        %dma_start3A_1161 = tpu.memref_slice %arg4[%dma_start3A_1160, %multiple_of3A_1154] : memref<32x1000000xf32, #tpu.memory_space<hbm>> -> memref<32x128xf32, #tpu.memory_space<hbm>>
        %dma_start3A_1162 = arith.constant 0 : i32
        %dma_start3A_1163 = tpu.memref_slice %arg4[%dma_start3A_1162, %multiple_of3A_1154] : memref<32x1000000xf32, #tpu.memory_space<hbm>> -> memref<32x128xf32, #tpu.memory_space<hbm>>
        tpu.enqueue_dma source(%dma_start3A_1163 : memref<32x128xf32, #tpu.memory_space<hbm>>) target(%arg16 : memref<32x128xf32, #tpu.memory_space<vmem>>) target_semaphore(%arg32 : memref<!tpu.dma_semaphore, #tpu.memory_space<semaphore_mem>>)
        %dma_start3A_1164 = arith.constant 0 : i32
        %dma_start3A_1165 = tpu.memref_slice %arg5[%dma_start3A_1164, %multiple_of3A_1159] : memref<32x1000000xf32, #tpu.memory_space<hbm>> -> memref<32x128xf32, #tpu.memory_space<hbm>>
        %dma_start3A_1166 = arith.constant 0 : i32
        %dma_start3A_1167 = tpu.memref_slice %arg5[%dma_start3A_1166, %multiple_of3A_1159] : memref<32x1000000xf32, #tpu.memory_space<hbm>> -> memref<32x128xf32, #tpu.memory_space<hbm>>
        tpu.enqueue_dma source(%dma_start3A_1167 : memref<32x128xf32, #tpu.memory_space<hbm>>) target(%arg24 : memref<32x128xf32, #tpu.memory_space<vmem>>) target_semaphore(%arg40 : memref<!tpu.dma_semaphore, #tpu.memory_space<semaphore_mem>>)
      } else {
      }
      %mul3A_921 = arith.mulf %gather3A_904, %gather3A_909 : vector<16xf32>
      %mul3A_922 = arith.mulf %gather3A_908, %gather3A_913 : vector<16xf32>
      %add3A_923 = arith.addf %mul3A_921, %mul3A_922 : vector<16xf32>
      %swap3A_924 = arith.constant 208 : index
      %swap3A_925 = tpu.vector_load %arg9[%swap3A_924] {strides = array<i32>} : memref<256xf32, #tpu.memory_space<vmem>>, vector<16xf32>,
      tpu.vector_store %arg9[%swap3A_924], %add3A_923 {strides = array<i32>} : memref<256xf32, #tpu.memory_space<vmem>>, vector<16xf32>,
      %dma_wait3A_926 = arith.constant 0 : i32
      %dma_wait3A_927 = arith.constant 0 : i32
      %dma_wait3A_928 = tpu.memref_slice %arg4[%dma_wait3A_926, %dma_wait3A_927] : memref<32x1000000xf32, #tpu.memory_space<hbm>> -> memref<32x128xf32, #tpu.memory_space<hbm>>
      %dma_wait3A_929 = arith.constant 0 : i32
      %dma_wait3A_930 = arith.constant 0 : i32
      %dma_wait3A_931 = tpu.memref_slice %arg4[%dma_wait3A_929, %dma_wait3A_930] : memref<32x1000000xf32, #tpu.memory_space<hbm>> -> memref<32x128xf32, #tpu.memory_space<hbm>>
      tpu.wait_dma2 semaphore(%arg33 : memref<!tpu.dma_semaphore, #tpu.memory_space<semaphore_mem>>) src(%dma_wait3A_931 : memref<32x128xf32, #tpu.memory_space<hbm>>) dst(%arg17 : memref<32x128xf32, #tpu.memory_space<vmem>>)
      %dma_wait3A_932 = arith.constant 0 : i32
      %dma_wait3A_933 = arith.constant 0 : i32
      %dma_wait3A_934 = tpu.memref_slice %arg5[%dma_wait3A_932, %dma_wait3A_933] : memref<32x1000000xf32, #tpu.memory_space<hbm>> -> memref<32x128xf32, #tpu.memory_space<hbm>>
      %dma_wait3A_935 = arith.constant 0 : i32
      %dma_wait3A_936 = arith.constant 0 : i32
      %dma_wait3A_937 = tpu.memref_slice %arg5[%dma_wait3A_935, %dma_wait3A_936] : memref<32x1000000xf32, #tpu.memory_space<hbm>> -> memref<32x128xf32, #tpu.memory_space<hbm>>
      tpu.wait_dma2 semaphore(%arg41 : memref<!tpu.dma_semaphore, #tpu.memory_space<semaphore_mem>>) src(%dma_wait3A_937 : memref<32x128xf32, #tpu.memory_space<hbm>>) dst(%arg25 : memref<32x128xf32, #tpu.memory_space<vmem>>)
      %slice3A_938 = vector.extract_strided_slice %get3A_186 {offsets = [14], sizes = [1], strides = [1]} : vector<16xi32> to vector<1xi32>
      %squeeze3A_939 = vector.extract %slice3A_938[0] : i32 from vector<1xi32>
      %and3A_940 = arith.constant 127 : i32
      %and3A_941 = arith.andi %squeeze3A_939, %and3A_940 : i32
      %slice3A_942 = vector.extract_strided_slice %get3A_188 {offsets = [14], sizes = [1], strides = [1]} : vector<16xi32> to vector<1xi32>
      %squeeze3A_943 = vector.extract %slice3A_942[0] : i32 from vector<1xi32>
      %and3A_944 = arith.constant 127 : i32
      %and3A_945 = arith.andi %squeeze3A_943, %and3A_944 : i32
      %broadcast_in_dim3A_946 = vector.broadcast %and3A_941 : i32 to vector<16xi32>
      %broadcast_in_dim3A_947 = vector.broadcast %and3A_945 : i32 to vector<16xi32>
      %gather3A_948 = tpu.vector_load_idx %arg17[%iota3A, %broadcast_in_dim3A_946] : memref<32x128xf32, #tpu.memory_space<vmem>>[vector<16xi32>, vector<16xi32>], vector<16xf32>,
      %add3A_949 = arith.constant 16 : i32
      %add3A_950 = vector.broadcast %add3A_949 : i32 to vector<16xi32>
      %add3A_951 = arith.addi %iota3A, %add3A_950 : vector<16xi32>
      %gather3A_952 = tpu.vector_load_idx %arg17[%add3A_951, %broadcast_in_dim3A_946] : memref<32x128xf32, #tpu.memory_space<vmem>>[vector<16xi32>, vector<16xi32>], vector<16xf32>,
      %gather3A_953 = tpu.vector_load_idx %arg25[%iota3A, %broadcast_in_dim3A_947] : memref<32x128xf32, #tpu.memory_space<vmem>>[vector<16xi32>, vector<16xi32>], vector<16xf32>,
      %add3A_954 = arith.constant 16 : i32
      %add3A_955 = vector.broadcast %add3A_954 : i32 to vector<16xi32>
      %add3A_956 = arith.addi %iota3A, %add3A_955 : vector<16xi32>
      %gather3A_957 = tpu.vector_load_idx %arg25[%add3A_956, %broadcast_in_dim3A_947] : memref<32x128xf32, #tpu.memory_space<vmem>>[vector<16xi32>, vector<16xi32>], vector<16xf32>,
      %add3A_958 = arith.constant 1 : i32
      %add3A_959 = arith.addi %scan3A_182, %add3A_958 : i32
      %lt3A_960 = arith.constant 32 : i32
      %lt3A_961 = arith.cmpi slt, %add3A_959, %lt3A_960 : i32
      %convert_element_type3A_962 = arith.extui %lt3A_961 : i1 to i32
      %cond3A_963 = arith.constant 0 : i32
      %cond3A_964 = arith.cmpi ne, %convert_element_type3A_962, %cond3A_963 : i32
      scf.if %cond3A_964 {
        %slice3A_1146 = vector.extract_strided_slice %get3A_195 {offsets = [6], sizes = [1], strides = [1]} : vector<16xi32> to vector<1xi32>
        %squeeze3A_1147 = vector.extract %slice3A_1146[0] : i32 from vector<1xi32>
        %slice3A_1148 = vector.extract_strided_slice %get3A_197 {offsets = [6], sizes = [1], strides = [1]} : vector<16xi32> to vector<1xi32>
        %squeeze3A_1149 = vector.extract %slice3A_1148[0] : i32 from vector<1xi32>
        %shift_right_arithmetic3A_1150 = arith.constant 7 : i32
        %shift_right_arithmetic3A_1151 = arith.shrsi %squeeze3A_1147, %shift_right_arithmetic3A_1150 : i32
        %mul3A_1152 = arith.constant 128 : i32
        %mul3A_1153 = arith.muli %shift_right_arithmetic3A_1151, %mul3A_1152 : i32
        %multiple_of3A_1154 = tpu.assume_multiple %mul3A_1153, 128 : i32
        %shift_right_arithmetic3A_1155 = arith.constant 7 : i32
        %shift_right_arithmetic3A_1156 = arith.shrsi %squeeze3A_1149, %shift_right_arithmetic3A_1155 : i32
        %mul3A_1157 = arith.constant 128 : i32
        %mul3A_1158 = arith.muli %shift_right_arithmetic3A_1156, %mul3A_1157 : i32
        %multiple_of3A_1159 = tpu.assume_multiple %mul3A_1158, 128 : i32
        %dma_start3A_1160 = arith.constant 0 : i32
        %dma_start3A_1161 = tpu.memref_slice %arg4[%dma_start3A_1160, %multiple_of3A_1154] : memref<32x1000000xf32, #tpu.memory_space<hbm>> -> memref<32x128xf32, #tpu.memory_space<hbm>>
        %dma_start3A_1162 = arith.constant 0 : i32
        %dma_start3A_1163 = tpu.memref_slice %arg4[%dma_start3A_1162, %multiple_of3A_1154] : memref<32x1000000xf32, #tpu.memory_space<hbm>> -> memref<32x128xf32, #tpu.memory_space<hbm>>
        tpu.enqueue_dma source(%dma_start3A_1163 : memref<32x128xf32, #tpu.memory_space<hbm>>) target(%arg17 : memref<32x128xf32, #tpu.memory_space<vmem>>) target_semaphore(%arg33 : memref<!tpu.dma_semaphore, #tpu.memory_space<semaphore_mem>>)
        %dma_start3A_1164 = arith.constant 0 : i32
        %dma_start3A_1165 = tpu.memref_slice %arg5[%dma_start3A_1164, %multiple_of3A_1159] : memref<32x1000000xf32, #tpu.memory_space<hbm>> -> memref<32x128xf32, #tpu.memory_space<hbm>>
        %dma_start3A_1166 = arith.constant 0 : i32
        %dma_start3A_1167 = tpu.memref_slice %arg5[%dma_start3A_1166, %multiple_of3A_1159] : memref<32x1000000xf32, #tpu.memory_space<hbm>> -> memref<32x128xf32, #tpu.memory_space<hbm>>
        tpu.enqueue_dma source(%dma_start3A_1167 : memref<32x128xf32, #tpu.memory_space<hbm>>) target(%arg25 : memref<32x128xf32, #tpu.memory_space<vmem>>) target_semaphore(%arg41 : memref<!tpu.dma_semaphore, #tpu.memory_space<semaphore_mem>>)
      } else {
      }
      %mul3A_965 = arith.mulf %gather3A_948, %gather3A_953 : vector<16xf32>
      %mul3A_966 = arith.mulf %gather3A_952, %gather3A_957 : vector<16xf32>
      %add3A_967 = arith.addf %mul3A_965, %mul3A_966 : vector<16xf32>
      %swap3A_968 = arith.constant 224 : index
      %swap3A_969 = tpu.vector_load %arg9[%swap3A_968] {strides = array<i32>} : memref<256xf32, #tpu.memory_space<vmem>>, vector<16xf32>,
      tpu.vector_store %arg9[%swap3A_968], %add3A_967 {strides = array<i32>} : memref<256xf32, #tpu.memory_space<vmem>>, vector<16xf32>,
      %dma_wait3A_970 = arith.constant 0 : i32
      %dma_wait3A_971 = arith.constant 0 : i32
      %dma_wait3A_972 = tpu.memref_slice %arg4[%dma_wait3A_970, %dma_wait3A_971] : memref<32x1000000xf32, #tpu.memory_space<hbm>> -> memref<32x128xf32, #tpu.memory_space<hbm>>
      %dma_wait3A_973 = arith.constant 0 : i32
      %dma_wait3A_974 = arith.constant 0 : i32
      %dma_wait3A_975 = tpu.memref_slice %arg4[%dma_wait3A_973, %dma_wait3A_974] : memref<32x1000000xf32, #tpu.memory_space<hbm>> -> memref<32x128xf32, #tpu.memory_space<hbm>>
      tpu.wait_dma2 semaphore(%arg34 : memref<!tpu.dma_semaphore, #tpu.memory_space<semaphore_mem>>) src(%dma_wait3A_975 : memref<32x128xf32, #tpu.memory_space<hbm>>) dst(%arg18 : memref<32x128xf32, #tpu.memory_space<vmem>>)
      %dma_wait3A_976 = arith.constant 0 : i32
      %dma_wait3A_977 = arith.constant 0 : i32
      %dma_wait3A_978 = tpu.memref_slice %arg5[%dma_wait3A_976, %dma_wait3A_977] : memref<32x1000000xf32, #tpu.memory_space<hbm>> -> memref<32x128xf32, #tpu.memory_space<hbm>>
      %dma_wait3A_979 = arith.constant 0 : i32
      %dma_wait3A_980 = arith.constant 0 : i32
      %dma_wait3A_981 = tpu.memref_slice %arg5[%dma_wait3A_979, %dma_wait3A_980] : memref<32x1000000xf32, #tpu.memory_space<hbm>> -> memref<32x128xf32, #tpu.memory_space<hbm>>
      tpu.wait_dma2 semaphore(%arg42 : memref<!tpu.dma_semaphore, #tpu.memory_space<semaphore_mem>>) src(%dma_wait3A_981 : memref<32x128xf32, #tpu.memory_space<hbm>>) dst(%arg26 : memref<32x128xf32, #tpu.memory_space<vmem>>)
      %slice3A_982 = vector.extract_strided_slice %get3A_186 {offsets = [15], sizes = [1], strides = [1]} : vector<16xi32> to vector<1xi32>
      %squeeze3A_983 = vector.extract %slice3A_982[0] : i32 from vector<1xi32>
      %and3A_984 = arith.constant 127 : i32
      %and3A_985 = arith.andi %squeeze3A_983, %and3A_984 : i32
      %slice3A_986 = vector.extract_strided_slice %get3A_188 {offsets = [15], sizes = [1], strides = [1]} : vector<16xi32> to vector<1xi32>
      %squeeze3A_987 = vector.extract %slice3A_986[0] : i32 from vector<1xi32>
      %and3A_988 = arith.constant 127 : i32
      %and3A_989 = arith.andi %squeeze3A_987, %and3A_988 : i32
      %broadcast_in_dim3A_990 = vector.broadcast %and3A_985 : i32 to vector<16xi32>
      %broadcast_in_dim3A_991 = vector.broadcast %and3A_989 : i32 to vector<16xi32>
      %gather3A_992 = tpu.vector_load_idx %arg18[%iota3A, %broadcast_in_dim3A_990] : memref<32x128xf32, #tpu.memory_space<vmem>>[vector<16xi32>, vector<16xi32>], vector<16xf32>,
      %add3A_993 = arith.constant 16 : i32
      %add3A_994 = vector.broadcast %add3A_993 : i32 to vector<16xi32>
      %add3A_995 = arith.addi %iota3A, %add3A_994 : vector<16xi32>
      %gather3A_996 = tpu.vector_load_idx %arg18[%add3A_995, %broadcast_in_dim3A_990] : memref<32x128xf32, #tpu.memory_space<vmem>>[vector<16xi32>, vector<16xi32>], vector<16xf32>,
      %gather3A_997 = tpu.vector_load_idx %arg26[%iota3A, %broadcast_in_dim3A_991] : memref<32x128xf32, #tpu.memory_space<vmem>>[vector<16xi32>, vector<16xi32>], vector<16xf32>,
      %add3A_998 = arith.constant 16 : i32
      %add3A_999 = vector.broadcast %add3A_998 : i32 to vector<16xi32>
      %add3A_1000 = arith.addi %iota3A, %add3A_999 : vector<16xi32>
      %gather3A_1001 = tpu.vector_load_idx %arg26[%add3A_1000, %broadcast_in_dim3A_991] : memref<32x128xf32, #tpu.memory_space<vmem>>[vector<16xi32>, vector<16xi32>], vector<16xf32>,
      %add3A_1002 = arith.constant 1 : i32
      %add3A_1003 = arith.addi %scan3A_182, %add3A_1002 : i32
      %lt3A_1004 = arith.constant 32 : i32
      %lt3A_1005 = arith.cmpi slt, %add3A_1003, %lt3A_1004 : i32
      %convert_element_type3A_1006 = arith.extui %lt3A_1005 : i1 to i32
      %cond3A_1007 = arith.constant 0 : i32
      %cond3A_1008 = arith.cmpi ne, %convert_element_type3A_1006, %cond3A_1007 : i32
      scf.if %cond3A_1008 {
        %slice3A_1146 = vector.extract_strided_slice %get3A_195 {offsets = [7], sizes = [1], strides = [1]} : vector<16xi32> to vector<1xi32>
        %squeeze3A_1147 = vector.extract %slice3A_1146[0] : i32 from vector<1xi32>
        %slice3A_1148 = vector.extract_strided_slice %get3A_197 {offsets = [7], sizes = [1], strides = [1]} : vector<16xi32> to vector<1xi32>
        %squeeze3A_1149 = vector.extract %slice3A_1148[0] : i32 from vector<1xi32>
        %shift_right_arithmetic3A_1150 = arith.constant 7 : i32
        %shift_right_arithmetic3A_1151 = arith.shrsi %squeeze3A_1147, %shift_right_arithmetic3A_1150 : i32
        %mul3A_1152 = arith.constant 128 : i32
        %mul3A_1153 = arith.muli %shift_right_arithmetic3A_1151, %mul3A_1152 : i32
        %multiple_of3A_1154 = tpu.assume_multiple %mul3A_1153, 128 : i32
        %shift_right_arithmetic3A_1155 = arith.constant 7 : i32
        %shift_right_arithmetic3A_1156 = arith.shrsi %squeeze3A_1149, %shift_right_arithmetic3A_1155 : i32
        %mul3A_1157 = arith.constant 128 : i32
        %mul3A_1158 = arith.muli %shift_right_arithmetic3A_1156, %mul3A_1157 : i32
        %multiple_of3A_1159 = tpu.assume_multiple %mul3A_1158, 128 : i32
        %dma_start3A_1160 = arith.constant 0 : i32
        %dma_start3A_1161 = tpu.memref_slice %arg4[%dma_start3A_1160, %multiple_of3A_1154] : memref<32x1000000xf32, #tpu.memory_space<hbm>> -> memref<32x128xf32, #tpu.memory_space<hbm>>
        %dma_start3A_1162 = arith.constant 0 : i32
        %dma_start3A_1163 = tpu.memref_slice %arg4[%dma_start3A_1162, %multiple_of3A_1154] : memref<32x1000000xf32, #tpu.memory_space<hbm>> -> memref<32x128xf32, #tpu.memory_space<hbm>>
        tpu.enqueue_dma source(%dma_start3A_1163 : memref<32x128xf32, #tpu.memory_space<hbm>>) target(%arg18 : memref<32x128xf32, #tpu.memory_space<vmem>>) target_semaphore(%arg34 : memref<!tpu.dma_semaphore, #tpu.memory_space<semaphore_mem>>)
        %dma_start3A_1164 = arith.constant 0 : i32
        %dma_start3A_1165 = tpu.memref_slice %arg5[%dma_start3A_1164, %multiple_of3A_1159] : memref<32x1000000xf32, #tpu.memory_space<hbm>> -> memref<32x128xf32, #tpu.memory_space<hbm>>
        %dma_start3A_1166 = arith.constant 0 : i32
        %dma_start3A_1167 = tpu.memref_slice %arg5[%dma_start3A_1166, %multiple_of3A_1159] : memref<32x1000000xf32, #tpu.memory_space<hbm>> -> memref<32x128xf32, #tpu.memory_space<hbm>>
        tpu.enqueue_dma source(%dma_start3A_1167 : memref<32x128xf32, #tpu.memory_space<hbm>>) target(%arg26 : memref<32x128xf32, #tpu.memory_space<vmem>>) target_semaphore(%arg42 : memref<!tpu.dma_semaphore, #tpu.memory_space<semaphore_mem>>)
      } else {
      }
      %mul3A_1009 = arith.mulf %gather3A_992, %gather3A_997 : vector<16xf32>
      %mul3A_1010 = arith.mulf %gather3A_996, %gather3A_1001 : vector<16xf32>
      %add3A_1011 = arith.addf %mul3A_1009, %mul3A_1010 : vector<16xf32>
      %swap3A_1012 = arith.constant 240 : index
      %swap3A_1013 = tpu.vector_load %arg9[%swap3A_1012] {strides = array<i32>} : memref<256xf32, #tpu.memory_space<vmem>>, vector<16xf32>,
      tpu.vector_store %arg9[%swap3A_1012], %add3A_1011 {strides = array<i32>} : memref<256xf32, #tpu.memory_space<vmem>>, vector<16xf32>,
      %broadcast_in_dim3A_1014 = arith.constant 0.000000e+00 : f32
      %broadcast_in_dim3A_1015 = vector.broadcast %broadcast_in_dim3A_1014 : f32 to vector<16xf32>
      %mul3A_1016 = arith.constant 16 : i32
      %mul3A_1017 = vector.broadcast %mul3A_1016 : i32 to vector<16xi32>
      %mul3A_1018 = arith.muli %iota3A, %mul3A_1017 : vector<16xi32>
      %add3A_1019 = arith.constant 0 : i32
      %add3A_1020 = vector.broadcast %add3A_1019 : i32 to vector<16xi32>
      %add3A_1021 = arith.addi %mul3A_1018, %add3A_1020 : vector<16xi32>
      %gather3A_1022 = tpu.vector_load_idx %arg9[%add3A_1021] : memref<256xf32, #tpu.memory_space<vmem>>[vector<16xi32>], vector<16xf32>,
      %add3A_1023 = arith.addf %broadcast_in_dim3A_1015, %gather3A_1022 : vector<16xf32>
      %mul3A_1024 = arith.constant 16 : i32
      %mul3A_1025 = vector.broadcast %mul3A_1024 : i32 to vector<16xi32>
      %mul3A_1026 = arith.muli %iota3A, %mul3A_1025 : vector<16xi32>
      %add3A_1027 = arith.constant 1 : i32
      %add3A_1028 = vector.broadcast %add3A_1027 : i32 to vector<16xi32>
      %add3A_1029 = arith.addi %mul3A_1026, %add3A_1028 : vector<16xi32>
      %gather3A_1030 = tpu.vector_load_idx %arg9[%add3A_1029] : memref<256xf32, #tpu.memory_space<vmem>>[vector<16xi32>], vector<16xf32>,
      %add3A_1031 = arith.addf %add3A_1023, %gather3A_1030 : vector<16xf32>
      %mul3A_1032 = arith.constant 16 : i32
      %mul3A_1033 = vector.broadcast %mul3A_1032 : i32 to vector<16xi32>
      %mul3A_1034 = arith.muli %iota3A, %mul3A_1033 : vector<16xi32>
      %add3A_1035 = arith.constant 2 : i32
      %add3A_1036 = vector.broadcast %add3A_1035 : i32 to vector<16xi32>
      %add3A_1037 = arith.addi %mul3A_1034, %add3A_1036 : vector<16xi32>
      %gather3A_1038 = tpu.vector_load_idx %arg9[%add3A_1037] : memref<256xf32, #tpu.memory_space<vmem>>[vector<16xi32>], vector<16xf32>,
      %add3A_1039 = arith.addf %add3A_1031, %gather3A_1038 : vector<16xf32>
      %mul3A_1040 = arith.constant 16 : i32
      %mul3A_1041 = vector.broadcast %mul3A_1040 : i32 to vector<16xi32>
      %mul3A_1042 = arith.muli %iota3A, %mul3A_1041 : vector<16xi32>
      %add3A_1043 = arith.constant 3 : i32
      %add3A_1044 = vector.broadcast %add3A_1043 : i32 to vector<16xi32>
      %add3A_1045 = arith.addi %mul3A_1042, %add3A_1044 : vector<16xi32>
      %gather3A_1046 = tpu.vector_load_idx %arg9[%add3A_1045] : memref<256xf32, #tpu.memory_space<vmem>>[vector<16xi32>], vector<16xf32>,
      %add3A_1047 = arith.addf %add3A_1039, %gather3A_1046 : vector<16xf32>
      %mul3A_1048 = arith.constant 16 : i32
      %mul3A_1049 = vector.broadcast %mul3A_1048 : i32 to vector<16xi32>
      %mul3A_1050 = arith.muli %iota3A, %mul3A_1049 : vector<16xi32>
      %add3A_1051 = arith.constant 4 : i32
      %add3A_1052 = vector.broadcast %add3A_1051 : i32 to vector<16xi32>
      %add3A_1053 = arith.addi %mul3A_1050, %add3A_1052 : vector<16xi32>
      %gather3A_1054 = tpu.vector_load_idx %arg9[%add3A_1053] : memref<256xf32, #tpu.memory_space<vmem>>[vector<16xi32>], vector<16xf32>,
      %add3A_1055 = arith.addf %add3A_1047, %gather3A_1054 : vector<16xf32>
      %mul3A_1056 = arith.constant 16 : i32
      %mul3A_1057 = vector.broadcast %mul3A_1056 : i32 to vector<16xi32>
      %mul3A_1058 = arith.muli %iota3A, %mul3A_1057 : vector<16xi32>
      %add3A_1059 = arith.constant 5 : i32
      %add3A_1060 = vector.broadcast %add3A_1059 : i32 to vector<16xi32>
      %add3A_1061 = arith.addi %mul3A_1058, %add3A_1060 : vector<16xi32>
      %gather3A_1062 = tpu.vector_load_idx %arg9[%add3A_1061] : memref<256xf32, #tpu.memory_space<vmem>>[vector<16xi32>], vector<16xf32>,
      %add3A_1063 = arith.addf %add3A_1055, %gather3A_1062 : vector<16xf32>
      %mul3A_1064 = arith.constant 16 : i32
      %mul3A_1065 = vector.broadcast %mul3A_1064 : i32 to vector<16xi32>
      %mul3A_1066 = arith.muli %iota3A, %mul3A_1065 : vector<16xi32>
      %add3A_1067 = arith.constant 6 : i32
      %add3A_1068 = vector.broadcast %add3A_1067 : i32 to vector<16xi32>
      %add3A_1069 = arith.addi %mul3A_1066, %add3A_1068 : vector<16xi32>
      %gather3A_1070 = tpu.vector_load_idx %arg9[%add3A_1069] : memref<256xf32, #tpu.memory_space<vmem>>[vector<16xi32>], vector<16xf32>,
      %add3A_1071 = arith.addf %add3A_1063, %gather3A_1070 : vector<16xf32>
      %mul3A_1072 = arith.constant 16 : i32
      %mul3A_1073 = vector.broadcast %mul3A_1072 : i32 to vector<16xi32>
      %mul3A_1074 = arith.muli %iota3A, %mul3A_1073 : vector<16xi32>
      %add3A_1075 = arith.constant 7 : i32
      %add3A_1076 = vector.broadcast %add3A_1075 : i32 to vector<16xi32>
      %add3A_1077 = arith.addi %mul3A_1074, %add3A_1076 : vector<16xi32>
      %gather3A_1078 = tpu.vector_load_idx %arg9[%add3A_1077] : memref<256xf32, #tpu.memory_space<vmem>>[vector<16xi32>], vector<16xf32>,
      %add3A_1079 = arith.addf %add3A_1071, %gather3A_1078 : vector<16xf32>
      %mul3A_1080 = arith.constant 16 : i32
      %mul3A_1081 = vector.broadcast %mul3A_1080 : i32 to vector<16xi32>
      %mul3A_1082 = arith.muli %iota3A, %mul3A_1081 : vector<16xi32>
      %add3A_1083 = arith.constant 8 : i32
      %add3A_1084 = vector.broadcast %add3A_1083 : i32 to vector<16xi32>
      %add3A_1085 = arith.addi %mul3A_1082, %add3A_1084 : vector<16xi32>
      %gather3A_1086 = tpu.vector_load_idx %arg9[%add3A_1085] : memref<256xf32, #tpu.memory_space<vmem>>[vector<16xi32>], vector<16xf32>,
      %add3A_1087 = arith.addf %add3A_1079, %gather3A_1086 : vector<16xf32>
      %mul3A_1088 = arith.constant 16 : i32
      %mul3A_1089 = vector.broadcast %mul3A_1088 : i32 to vector<16xi32>
      %mul3A_1090 = arith.muli %iota3A, %mul3A_1089 : vector<16xi32>
      %add3A_1091 = arith.constant 9 : i32
      %add3A_1092 = vector.broadcast %add3A_1091 : i32 to vector<16xi32>
      %add3A_1093 = arith.addi %mul3A_1090, %add3A_1092 : vector<16xi32>
      %gather3A_1094 = tpu.vector_load_idx %arg9[%add3A_1093] : memref<256xf32, #tpu.memory_space<vmem>>[vector<16xi32>], vector<16xf32>,
      %add3A_1095 = arith.addf %add3A_1087, %gather3A_1094 : vector<16xf32>
      %mul3A_1096 = arith.constant 16 : i32
      %mul3A_1097 = vector.broadcast %mul3A_1096 : i32 to vector<16xi32>
      %mul3A_1098 = arith.muli %iota3A, %mul3A_1097 : vector<16xi32>
      %add3A_1099 = arith.constant 10 : i32
      %add3A_1100 = vector.broadcast %add3A_1099 : i32 to vector<16xi32>
      %add3A_1101 = arith.addi %mul3A_1098, %add3A_1100 : vector<16xi32>
      %gather3A_1102 = tpu.vector_load_idx %arg9[%add3A_1101] : memref<256xf32, #tpu.memory_space<vmem>>[vector<16xi32>], vector<16xf32>,
      %add3A_1103 = arith.addf %add3A_1095, %gather3A_1102 : vector<16xf32>
      %mul3A_1104 = arith.constant 16 : i32
      %mul3A_1105 = vector.broadcast %mul3A_1104 : i32 to vector<16xi32>
      %mul3A_1106 = arith.muli %iota3A, %mul3A_1105 : vector<16xi32>
      %add3A_1107 = arith.constant 11 : i32
      %add3A_1108 = vector.broadcast %add3A_1107 : i32 to vector<16xi32>
      %add3A_1109 = arith.addi %mul3A_1106, %add3A_1108 : vector<16xi32>
      %gather3A_1110 = tpu.vector_load_idx %arg9[%add3A_1109] : memref<256xf32, #tpu.memory_space<vmem>>[vector<16xi32>], vector<16xf32>,
      %add3A_1111 = arith.addf %add3A_1103, %gather3A_1110 : vector<16xf32>
      %mul3A_1112 = arith.constant 16 : i32
      %mul3A_1113 = vector.broadcast %mul3A_1112 : i32 to vector<16xi32>
      %mul3A_1114 = arith.muli %iota3A, %mul3A_1113 : vector<16xi32>
      %add3A_1115 = arith.constant 12 : i32
      %add3A_1116 = vector.broadcast %add3A_1115 : i32 to vector<16xi32>
      %add3A_1117 = arith.addi %mul3A_1114, %add3A_1116 : vector<16xi32>
      %gather3A_1118 = tpu.vector_load_idx %arg9[%add3A_1117] : memref<256xf32, #tpu.memory_space<vmem>>[vector<16xi32>], vector<16xf32>,
      %add3A_1119 = arith.addf %add3A_1111, %gather3A_1118 : vector<16xf32>
      %mul3A_1120 = arith.constant 16 : i32
      %mul3A_1121 = vector.broadcast %mul3A_1120 : i32 to vector<16xi32>
      %mul3A_1122 = arith.muli %iota3A, %mul3A_1121 : vector<16xi32>
      %add3A_1123 = arith.constant 13 : i32
      %add3A_1124 = vector.broadcast %add3A_1123 : i32 to vector<16xi32>
      %add3A_1125 = arith.addi %mul3A_1122, %add3A_1124 : vector<16xi32>
      %gather3A_1126 = tpu.vector_load_idx %arg9[%add3A_1125] : memref<256xf32, #tpu.memory_space<vmem>>[vector<16xi32>], vector<16xf32>,
      %add3A_1127 = arith.addf %add3A_1119, %gather3A_1126 : vector<16xf32>
      %mul3A_1128 = arith.constant 16 : i32
      %mul3A_1129 = vector.broadcast %mul3A_1128 : i32 to vector<16xi32>
      %mul3A_1130 = arith.muli %iota3A, %mul3A_1129 : vector<16xi32>
      %add3A_1131 = arith.constant 14 : i32
      %add3A_1132 = vector.broadcast %add3A_1131 : i32 to vector<16xi32>
      %add3A_1133 = arith.addi %mul3A_1130, %add3A_1132 : vector<16xi32>
      %gather3A_1134 = tpu.vector_load_idx %arg9[%add3A_1133] : memref<256xf32, #tpu.memory_space<vmem>>[vector<16xi32>], vector<16xf32>,
      %add3A_1135 = arith.addf %add3A_1127, %gather3A_1134 : vector<16xf32>
      %mul3A_1136 = arith.constant 16 : i32
      %mul3A_1137 = vector.broadcast %mul3A_1136 : i32 to vector<16xi32>
      %mul3A_1138 = arith.muli %iota3A, %mul3A_1137 : vector<16xi32>
      %add3A_1139 = arith.constant 15 : i32
      %add3A_1140 = vector.broadcast %add3A_1139 : i32 to vector<16xi32>
      %add3A_1141 = arith.addi %mul3A_1138, %add3A_1140 : vector<16xi32>
      %gather3A_1142 = tpu.vector_load_idx %arg9[%add3A_1141] : memref<256xf32, #tpu.memory_space<vmem>>[vector<16xi32>], vector<16xf32>,
      %add3A_1143 = arith.addf %add3A_1135, %gather3A_1142 : vector<16xf32>
      %swap3A_1144 = arith.index_cast %mul3A_184 : i32 to index
      %swap3A_1145 = tpu.vector_load %arg10[%swap3A_1144] {strides = array<i32>} : memref<512xf32, #tpu.memory_space<vmem>>, vector<16xf32>,
      tpu.vector_store %arg10[%swap3A_1144], %add3A_1143 {strides = array<i32>} : memref<512xf32, #tpu.memory_space<vmem>>, vector<16xf32>,
    }
    %scan3A_181 = arith.constant 32 : i32
    "tpu.region"() ({
      %run_scoped3A = tpu.sem_alloc : memref<!tpu.dma_semaphore, #tpu.memory_space<semaphore_mem>>
      %dma_start3A_182 = tpu.memref_slice %arg6[%mul3A_2] : memref<16384xf32, #tpu.memory_space<hbm>> -> memref<512xf32, #tpu.memory_space<hbm>>
      %dma_start3A_183 = tpu.memref_slice %arg6[%mul3A_2] : memref<16384xf32, #tpu.memory_space<hbm>> -> memref<512xf32, #tpu.memory_space<hbm>>
      tpu.enqueue_dma source(%arg10 : memref<512xf32, #tpu.memory_space<vmem>>) target(%dma_start3A_183 : memref<512xf32, #tpu.memory_space<hbm>>) target_semaphore(%run_scoped3A : memref<!tpu.dma_semaphore, #tpu.memory_space<semaphore_mem>>)
      %dma_wait3A = tpu.memref_slice %arg6[%mul3A_2] : memref<16384xf32, #tpu.memory_space<hbm>> -> memref<512xf32, #tpu.memory_space<hbm>>
      %dma_wait3A_184 = tpu.memref_slice %arg6[%mul3A_2] : memref<16384xf32, #tpu.memory_space<hbm>> -> memref<512xf32, #tpu.memory_space<hbm>>
      tpu.wait_dma2 semaphore(%run_scoped3A : memref<!tpu.dma_semaphore, #tpu.memory_space<semaphore_mem>>) src(%arg10 : memref<512xf32, #tpu.memory_space<vmem>>) dst(%dma_wait3A_184 : memref<512xf32, #tpu.memory_space<hbm>>)
      tpu.yield
    }) : () -> ()
    return
  }
}

</mosaic_0001>

<sc_bundles>
// kernel: kernel.3.cloned.1.call-start
scs
__scs_entry_jumppad:
0x0: {  	(pc) =	sbr.rel $0x88, $3  }
0x1: {  	(tag) =	ssettag $0x0;
	lr =	simm.s32 $0x1  }
0x2: {  	[smem:$0x3F9D] =	sst lr;
	_ =	strace $0xD0000000  }
0x3: {  	_ = 	snop  }
0x4: {  	_ = 	snop  }
0x5: {  	_ = 	snop  }
0x6: {  	_ = 	snop  }
0x7: {  	_ = 	snop  }
__scs_overlays_trampoline_lowered:
0x8: {  	[smem:$0x3FAC] =	sst s0  }
0x9: {  	[smem:$0x3FAD] =	sst s1  }
0xa: {  	[smem:$0x3FAE] =	sst s2  }
0xb: {  	[smem:$0x3FAF] =	sst s3  }
0xc: {  	[smem:$0x3FB0] =	sst s4  }
0xd: {  	[smem:$0x3FB1] =	sst s5  }
0xe: {  	[smem:$0x3FB2] =	sst s6  }
0xf: {  	[smem:$0x3FB3] =	sst s7  }
0x10: {  	[smem:$0x3FB4] =	sst s8  }
0x11: {  	[smem:$0x3FB5] =	sst s9;
	s0 =	simm.s32 @!p0 $0x0  }
0x12: {  	s1 =	sld [smem:$0x3F9B];
	s0 =	simm.s32 @p0 $0x1  }
0x13: {  	[smem:$0x3FB6] =	sst s0;
	s0 =	simm.s32 @!p1 $0x0  }
0x14: {  	s2 =	sld [smem:$0x3F9A];
	s0 =	simm.s32 @p1 $0x1  }
0x15: {  	[smem:$0x3FB7] =	sst s0;
	s0 =	simm.s32 @!p2 $0x0  }
0x16: {  	s3 =	sld [smem:$0x3FDB];
	s0 =	simm.s32 @p2 $0x1  }
0x17: {  	s4 =	simm.s32 $0x1BF5;
	[smem:$0x3FB9] =	sst s0  }
0x18: {  	s0 =	sld [smem:$0x3F9C];
	_ =	swait.ge [sflag:s4], $0x0  }
0x19: {  	s7 =	sld [smem:$0x3F9D]  }
0x1a: {  	s8 =	sadd.s32 $0xFFFFE003, lr  }
0x1b: {  	s9 =	sadd.s32 $0xFFFFFEF7, lr;
	s5 =	simm.s32 $0xFFFFFFFF;
	p2 =	slt.u32 s8, $0xFFFFF086  }
0x1c: {  	p1 =	slt.u32 s9, $0xF7A;
	s5 =	simm.s32 @!p2 $0x0  }
0x1d: {  	s5 =	simm.s32 @p1 $0x1;
	p0 =	seq.s32 s7, s2  }
0x1e: {  	s7 =	smul.u32 @!p0 $0xF7A, s2;
	p2 =	seq.s32 @!p0 s5, $0x0  }
0x1f: {  	s9 =	smul.u32 $0xF7A, s1;
	s8 =	simm.s32 @!p0 $0x1BF5;
	p2 =	por !p2, p0  }
0x20: {  	[sflag:s8] =	ssyncset.s32 @!p0 $0xFFFFF086;
	s6 =	sadd.s32 @!p0 s3, s7;
	s7 =	simm.s32 @!p0 $0x108  }
0x21: {  	s3 =	sadd.s32 s3, s9;
	s6 =	sadd.s32 @!p0 $0x88, s6;
	s7 =	simm.s32 @p2 $0x1082  }
0x22: {  	[simem:s7], [sflag:s8] =	dma.local @!p0 [hbm:s6], $0xF7A  }
0x23: {  	s9 =	sor.u32 $0xD0000000, s2;
	s6 =	simm.s32 $0x108;
	_ =	swait.ge @!p0 [sflag:s8], $0x0  }
0x24: {  	s3 =	sadd.s32 $0x88, s3;
	s6 =	simm.s32 @!p1 $0x1082;
	[sflag:s4] =	ssyncset.s32 $0xFFFFF086  }
0x25: {  	[simem:s6], [sflag:s4] =	dma.local [hbm:s3], $0xF7A  }
0x26: {  	[smem:$0x3F9D] =	sst s1;
	(tag) =	ssettag s2;
	_ =	strace s9  }
0x27: {  	s1 =	sld [smem:$0x3FAD]  }
0x28: {  	s2 =	sld [smem:$0x3FAE]  }
0x29: {  	s4 =	sld [smem:$0x3FB0]  }
0x2a: {  	p0 =	seq.s32 s5, $0x0;
	s5 =	sld [smem:$0x3FB1]  }
0x2b: {  	s6 =	sld [smem:$0x3FB2]  }
0x2c: {  	s7 =	sld [smem:$0x3FB3]  }
0x2d: {  	s3 =	simm.s32 $0x108;
	s8 =	sld [smem:$0x3FB4]  }
0x2e: {  	s3 =	simm.s32 @!p0 $0x1082;
	s9 =	sld [smem:$0x3FB5]  }
0x2f: {  	lr =	sadd.s32 s0, s3;
	s0 =	sld [smem:$0x3FAC]  }
0x30: {  	s3 =	sld [smem:$0x3FAF]  }
0x31: {  	[smem:$0x3FB8] =	sst s10  }
0x32: {  	s10 =	sld [smem:$0x3FB6];
	_ =	sdelay $0x3  }
0x33: {  	p0 =	seq.s32 s10, $0x1;
	s10 =	sld [smem:$0x3FB8];
	_ =	sdelay $0x3  }
0x34: {  	[smem:$0x3FB8] =	sst s10  }
0x35: {  	s10 =	sld [smem:$0x3FB7];
	_ =	sdelay $0x3  }
0x36: {  	p1 =	seq.s32 s10, $0x1;
	s10 =	sld [smem:$0x3FB8];
	_ =	sdelay $0x3  }
0x37: {  	[smem:$0x3FB8] =	sst s10  }
0x38: {  	s10 =	sld [smem:$0x3FB9]  }
0x39: {  	_ = 	snop;
	(pc) =	sbr.ind lr, $3  }
0x3a: {  	_ = 	snop  }
0x3b: {  	_ = 	snop  }
0x3c: {  	p2 =	seq.s32 s10, $0x1;
	s10 =	sld [smem:$0x3FB8]  }
0x3d: {  	_ =	shalt  }
0x3e: {  	_ =	shalt  }
0x3f: {  	_ =	shalt  }
0x40: {  	_ =	shalt  }
0x41: {  	_ =	shalt  }
0x42: {  	_ =	shalt  }
0x43: {  	_ =	shalt  }
0x44: {  	_ =	shalt  }
0x45: {  	_ =	shalt  }
0x46: {  	_ =	shalt  }
0x47: {  	_ =	shalt  }
0x48: {  	_ =	shalt  }
0x49: {  	_ =	shalt  }
0x4a: {  	_ =	shalt  }
0x4b: {  	_ =	shalt  }
0x4c: {  	_ =	shalt  }
0x4d: {  	_ =	shalt  }
0x4e: {  	_ =	shalt  }
0x4f: {  	_ =	shalt  }
0x50: {  	_ =	shalt  }
0x51: {  	_ =	shalt  }
0x52: {  	_ =	shalt  }
0x53: {  	_ =	shalt  }
0x54: {  	_ =	shalt  }
0x55: {  	_ =	shalt  }
0x56: {  	_ =	shalt  }
0x57: {  	_ =	shalt  }
0x58: {  	_ =	shalt  }
0x59: {  	_ =	shalt  }
0x5a: {  	_ =	shalt  }
0x5b: {  	_ =	shalt  }
0x5c: {  	_ =	shalt  }
0x5d: {  	_ =	shalt  }
0x5e: {  	_ =	shalt  }
0x5f: {  	_ =	shalt  }
0x60: {  	_ =	shalt  }
0x61: {  	_ =	shalt  }
0x62: {  	_ =	shalt  }
0x63: {  	_ =	shalt  }
0x64: {  	_ =	shalt  }
0x65: {  	_ =	shalt  }
0x66: {  	_ =	shalt  }
0x67: {  	_ =	shalt  }
0x68: {  	_ =	shalt  }
0x69: {  	_ =	shalt  }
0x6a: {  	_ =	shalt  }
0x6b: {  	_ =	shalt  }
0x6c: {  	_ =	shalt  }
0x6d: {  	_ =	shalt  }
0x6e: {  	_ =	shalt  }
0x6f: {  	_ =	shalt  }
0x70: {  	_ =	shalt  }
0x71: {  	_ =	shalt  }
0x72: {  	_ =	shalt  }
0x73: {  	_ =	shalt  }
0x74: {  	_ =	shalt  }
0x75: {  	_ =	shalt  }
0x76: {  	_ =	shalt  }
0x77: {  	_ =	shalt  }
0x78: {  	_ =	shalt  }
0x79: {  	_ =	shalt  }
0x7a: {  	_ =	shalt  }
0x7b: {  	_ =	shalt  }
0x7c: {  	_ =	shalt  }
0x7d: {  	_ =	shalt  }
0x7e: {  	_ =	shalt  }
0x7f: {  	_ =	shalt  }
0x80: {  	_ =	shalt  }
0x81: {  	_ =	shalt  }
0x82: {  	_ =	shalt  }
0x83: {  	_ =	shalt  }
0x84: {  	_ =	shalt  }
0x85: {  	_ =	shalt  }
0x86: {  	_ =	shalt  }
0x87: {  	_ =	shalt  }
.Lfunc_end0:
.L_simem_size_0:
called_computation_lowered:
.L_overlay_start_0:
0x88: {  	s2 =	sld [smem:$0x3FD9]  }
0x89: {  	s3 =	sld [smem:$0x3FFE];
	_ =	sdelay $0x1  }
0x8a: {  	s1 =	srdreg.scid  }
0x8b: {  	s0 =	sand.u32 $0x1, s1  }
0x8c: {  	s18 =	sshll.u32 s0, $0xA;
	s2 =	sadd.s32 s3, s2  }
0x8d: {  	s2 =	sadd.s32 s2, s18  }
0x8e: {  	[smem:$0x3FC4] =	sst s2  }
0x8f: {  	_ = 	snop  }
0x90: {  	s2 =	sld [smem:$0x3FC9]  }
0x91: {  	s19 =	sld [smem:$0x3FC8]  }
0x92: {  	s4 =	sld [smem:$0x3FC7]  }
0x93: {  	s5 =	sld [smem:$0x3FC6]  }
0x94: {  	s6 =	sld [smem:$0x3FD0];
	(tm) =	ssettm $0x1  }
0x95: {  	s7 =	sld [smem:$0x3FFB];
	_ =	sdelay $0x3  }
0x96: {  	_ =	strace s7  }
0x97: {  	s7 =	sld [smem:$0x3FFC];
	_ =	sdelay $0x3  }
0x98: {  	_ =	strace s7  }
0x99: {  	s7 =	sld [smem:$0x3FFD];
	_ =	sdelay $0x3  }
0x9a: {  	_ =	strace s7  }
0x9b: {  	_ =	strace $0x8FFFFFFF  }
0x9c: {  	s20 =	sld [smem:$0x3FDB];
	_ =	sdelay $0x1  }
0x9d: {  	s8 =	simm.s32 $_scs_section_size  }
0x9e: {  	s9 =	simm.s32 $_size__tile_overlayer_lowered;
	s10 =	simm.s32 $_tile_overlayer_lowered  }
0x9f: {  	s23 =	simm.s32 $0x1BFF;
	s22 =	sshll.u32 s10, $0x1;
	s7 =	sadd.s32 s8, s20  }
0xa0: {  	s11 =	simm.s32 $0x0;
	s21 =	sshll.u32 s9, $0x1;
	s9 =	sadd.s32 s22, s7  }
0xa1: {  	[timem:s11], [sflag:s23] =	dma.local [hbm:s9], s21  }
0xa2: {  	_ =	swait.ge [sflag:s23], s21  }
0xa3: {  	s8 =	ssub.s32 $0x0, s21;
	[sflag:s23] =	ssyncset.done $0x0  }
0xa4: {  	[sflag:s23] =	ssyncadd.s32 s8;
	_ =	sdelay $0x1  }
0xa5: {  	s24 =	simm.s32 $0x1B8B  }
0xa6: {  	_ =	swait.ge [sflag:s24], $0x1  }
0xa7: {  	[sflag:s24] =	ssyncset.done $0x0  }
0xa8: {  	s25 =	simm.s32 $0x1B8E;
	[sflag:s24] =	ssyncadd.s32 $0xFFFFFFFF  }
0xa9: {  	s26 =	simm.s32 $execute0_lowered;
	[smem:$0x3FD2] =	sst s25  }
0xaa: {  	s8 =	sshll.u32 s26, $0x1;
	_ =	strace $0x80000046;
	[dreg:$0x1] =	wrdreg $0xFFFFFFFF  }
0xab: {  	s28 =	simm.s32 $_size_execute0_lowered;
	s7 =	sadd.s32 s7, s8;
	[dreg:$0x0] =	wrdreg $0x0  }
0xac: {  	s8 =	sshll.u32 s28, $0x1;
	[dreg:$0x2] =	wrdreg s7  }
0xad: {  	[dreg:$0x3] =	wrdreg s8  }
0xae: {  	[dreg:$0x4] =	wrdreg $0xC0  }
0xaf: {  	_ =	task [dreg:s11], $0x5FFFF  }
0xb0: {  	[dreg:$0x1] =	wrdreg $0xFFFFFFFF  }
0xb1: {  	[dreg:$0x0] =	wrdreg $0x60  }
0xb2: {  	[dreg:$0x2] =	wrdreg s2  }
0xb3: {  	[dreg:$0x3] =	wrdreg s19  }
0xb4: {  	[dreg:$0x4] =	wrdreg s4  }
0xb5: {  	[dreg:$0x5] =	wrdreg s5  }
0xb6: {  	[dreg:$0x6] =	wrdreg s6  }
0xb7: {  	[dreg:$0x7] =	wrdreg $0x9  }
0xb8: {  	_ =	task.clear_ibuf [dreg:s11], $0x8FFFF;
	_ =	strace $0x90000046  }
0xb9: {  	s29 =	simm.s32 $0x9;
	_ =	strace $0x80000048  }
0xba: {  	_ =	swait.ge [sflag:s29], $0x1  }
0xbb: {  	[sflag:s29] =	ssyncadd.s32 $0xFFFFFFFF  }
0xbc: {  	_ =	strace $0x90000048  }
0xbd: {  	_ =	sfence  }
0xbe: {  	s30 =	sld [smem:$0x0];
	_ =	sdelay $0x2  }
0xbf: {  	s31 =	sshll.u32 s1, $0xD;
	s1 =	sshrl.u32 s1, $0x2  }
0xc0: {  	s3 =	sand.u32 $0x4000, s31;
	s1 =	sadd.s32 s1, s30  }
0xc1: {  	s0 =	sor.u32 s3, s0;
	s1 =	sshll.u32 s1, $0x11  }
0xc2: {  	s0 =	sor.u32 s1, s0  }
0xc3: {  	s0 =	sadd.s32 $0x8F2B, s0  }
0xc4: {  	[sflag:s0] =	ssyncadd.remote.s32 $0x1  }
0xc5: {  	_ =	sfence.sel $0xFFFF  }
0xc6: {  	[dreg:$0x0] =	wrdreg $0xFFFFFFFF;
	(pc) =	sbr.abs _section_cstart, $3  }
0xc7: {  	[dreg:$0x1] =	wrdreg $0xFFFFFFFF  }
0xc8: {  	_ =	task.clear_ibuf [dreg:s11], $0x2FFFF;
	_ =	strace $0x9FFFFFFF  }
0xc9: {  	(tm) =	ssettm $0x7FFFFFFF  }
tec
execute0_lowered:
.L_overlay_start_1:
0x0: {  	(tag) =	ssettag $0x1  }
0x1: {  	s0 =	rddreg [dreg:$0x0]  }
0x2: {  	s3 =	rddreg [dreg:$0x1]  }
0x3: {  	s1 =	rddreg [dreg:$0x2]  }
0x4: {  	s2 =	rddreg [dreg:$0x3]  }
0x5: {  	s4 =	rddreg [dreg:$0x4]  }
0x6: {  	s9 =	simm.s32 $0x0;
	s5 =	srdreg.scid;
	s7 =	stileid.u32  }
0x7: {  	s10 =	simm.s32 $0x400;
	s11 =	simm.s32 $0x7A1400;
	s21 =	simm.s32 $0x1700  }
0x8: {  	s22 =	simm.s32 $0x9700;
	s28 =	simm.s32 $0x3700;
	s29 =	simm.s32 $0xB700  }
0x9: {  	s30 =	simm.s32 $0x4700;
	s31 =	simm.s32 $0xC700;
	s18 =	simm.s32 $0xE700  }
0xa: {  	s19 =	simm.s32 $0x7700;
	s20 =	simm.s32 $0xF700;
	s23 =	simm.s32 $0x1  }
0xb: {  	s12 =	simm.s32 $0x9;
	s13 =	simm.s32 $0x0;
	s16 =	simm.s32 $0x7A1400  }
0xc: {  	v1 =	vlaneseq.u32;
	s14 =	simm.s32 $0x4;
	s15 =	simm.s32 $0x6;
	s5 =	sand.u32 $0x1, s5  }
0xd: {  	[smem:$0x7FF] =	sst s9;
	s7 =	sshll.u32 s7, $0x7;
	v0 =	vmul.u32 $0x80, v1;
	s6 =	ssub.s32 $0x2, s5  }
0xe: {  	v1 =	vmul.u32 $0x10, v1;
	s5 =	sshll.u32 s5, $0x6;
	_ =	strace $0x80000047;
	s8 =	sshrl.u32 s6, $0x1  }
0xf: {  	s5 =	sor.u32 s5, s7;
	s7 =	simm.s32 $0xD700;
	v2 =	vor.u32 $0x800, v0;
	s6 =	ssub.s32 s6, s8  }
0x10: {  	v3 =	vor.u32 $0x1, v1;
	v4 =	vor.u32 $0x2, v1;
	v5 =	vor.u32 $0x3, v1;
	s0 =	sadd.s32 s0, s5;
	s24 =	sadd.s32 s3, s5;
	s25 =	sadd.s32 s4, s5  }
0x11: {  	v6 =	vor.u32 $0x4, v1;
	v7 =	vor.u32 $0x5, v1;
	v8 =	vor.u32 $0x6, v1;
	s3 =	simm.s32 $0x11;
	s4 =	simm.s32 $0x700;
	[dreg:$0x6] =	wrdreg s0  }
0x12: {  	v9 =	vor.u32 $0x7, v1;
	v10 =	vor.u32 $0x8, v1;
	v11 =	vor.u32 $0x9, v1;
	s5 =	simm.s32 $0x8700;
	s8 =	simm.s32 $0x6700;
	[dreg:$0x7] =	wrdreg s24  }
0x13: {  	v12 =	vor.u32 $0xA, v1;
	v13 =	vor.u32 $0xB, v1;
	v14 =	vor.u32 $0xC, v1;
	[dreg:$0x8] =	wrdreg s25;
	s26 =	smax.u32 s6, $0x1;
	s25 =	simm.s32 $0x2700  }
0x14: {  	v15 =	vor.u32 $0xD, v1;
	v16 =	vor.u32 $0xE, v1;
	v17 =	vor.u32 $0xF, v1;
	s6 =	simm.s32 $0x5700;
	[dreg:$0x9] =	wrdreg s26;
	s26 =	simm.s32 $0xA700  }
.LBB2_1:
0x15: {  	[dreg:$0xa] =	wrdreg s13  }
0x16: {  	s0 =	rddreg [dreg:$0x6]  }
0x17: {  	[tilespmem:s9], [sflag:$0x11] =	stream.linear.gather [hbm4b:s0+s9], $0x200, $0x38;
	[tilespmem:$0x10700] =	vst v63  }
0x18: {  	_ =	swait.ge [sflag:s3], $0x200  }
0x19: {  	[sflag:s3] =	ssyncset.done $0x0  }
0x1a: {  	s13 =	simm.s32 $0x200;
	s24 =	rddreg [dreg:$0x7];
	[sflag:s3] =	ssyncadd.s32 $0xFFFFFE00  }
0x1b: {  	[tilespmem:s13], [sflag:$0x11] =	stream.linear.gather [hbm4b:s24+s9], $0x200, $0x38;
	[tilespmem:$0x10700] =	vst v63  }
0x1c: {  	_ =	swait.ge [sflag:s3], $0x200  }
0x1d: {  	[sflag:s3] =	ssyncset.done $0x0  }
0x1e: {  	[sflag:s3] =	ssyncadd.s32 $0xFFFFFE00  }
0x1f: {  	v18 =	vld [tilespmem:$0x0];
	_ =	sdelay $0x3  }
0x20: {  	v19 =	vld [tilespmem:$0x200]  }
0x21: {  	(v2sf) =	vpush v18, $0x0;
	_ =	sdelay $0x3  }
0x22: {  	(v2sf) =	vpush v19, $0x0;
	_ =	sdelay $0x5  }
0x23: {  	(v2sf) =	vpush v18, $0x1  }
0x24: {  	(v2sf) =	vpush v19, $0x1;
	_ =	sdelay $0x3  }
0x25: {  	s3 =	spop (v2sf)  }
0x26: {  	s0 =	sand.u32 $0xFFFFF80, s3  }
0x27: {  	(v2sf) =	vpush v18, $0x2;
	s0 =	sadd.s32 s1, s0  }
0x28: {  	[tilespmem:s4], [sflag:$0x1] =	stream.strided.gather [hbm4b:s0+s10], $0x1000, s11, s10, $0x38;
	[tilespmem:$0x10700] =	vst v63  }
0x29: {  	s4 =	spop (v2sf);
	(v2sf) =	vpush v19, $0x2;
	_ =	sdelay $0x2  }
0x2a: {  	s0 =	sand.u32 $0xFFFFF80, s4  }
0x2b: {  	s0 =	sadd.s32 s2, s0  }
0x2c: {  	[tilespmem:s5], [sflag:$0x9] =	stream.strided.gather [hbm4b:s0+s10], $0x1000, s11, s10, $0x38;
	[tilespmem:$0x10700] =	vst v63  }
0x2d: {  	(v2sf) =	vpush v18, $0x3;
	s5 =	spop (v2sf)  }
0x2e: {  	s9 =	spop (v2sf);
	(v2sf) =	vpush v19, $0x3;
	_ =	sdelay $0x4  }
0x2f: {  	s0 =	sand.u32 $0xFFFFF80, s5  }
0x30: {  	s0 =	sadd.s32 s1, s0;
	s17 =	spop (v2sf);
	(v2sf) =	vpush v18, $0x4  }
0x31: {  	[tilespmem:s21], [sflag:$0x2] =	stream.strided.gather [hbm4b:s0+s10], $0x1000, s11, s10, $0x38;
	[tilespmem:$0x10700] =	vst v63  }
0x32: {  	s0 =	sand.u32 $0xFFFFF80, s9;
	s24 =	spop (v2sf);
	(v2sf) =	vpush v19, $0x4  }
0x33: {  	s0 =	sadd.s32 s2, s0  }
0x34: {  	[tilespmem:s22], [sflag:$0xA] =	stream.strided.gather [hbm4b:s0+s10], $0x1000, s11, s10, $0x38;
	[tilespmem:$0x10700] =	vst v63  }
0x35: {  	s0 =	sand.u32 $0xFFFFF80, s17;
	(v2sf) =	vpush v18, $0x5  }
0x36: {  	s0 =	sadd.s32 s1, s0  }
0x37: {  	[tilespmem:s25], [sflag:$0x3] =	stream.strided.gather [hbm4b:s0+s10], $0x1000, s11, s10, $0x38;
	[tilespmem:$0x10700] =	vst v63  }
0x38: {  	s0 =	sand.u32 $0xFFFFF80, s24;
	s3 =	spop (v2sf);
	(v2sf) =	vpush v19, $0x5  }
0x39: {  	s0 =	sadd.s32 s2, s0;
	s4 =	spop (v2sf);
	(v2sf) =	vpush v18, $0x6  }
0x3a: {  	[tilespmem:s26], [sflag:$0xB] =	stream.strided.gather [hbm4b:s0+s10], $0x1000, s11, s10, $0x38;
	[tilespmem:$0x10700] =	vst v63  }
0x3b: {  	s0 =	sand.u32 $0xFFFFF80, s3  }
0x3c: {  	s0 =	sadd.s32 s1, s0  }
0x3d: {  	[tilespmem:s28], [sflag:$0x4] =	stream.strided.gather [hbm4b:s0+s10], $0x1000, s11, s10, $0x38;
	[tilespmem:$0x10700] =	vst v63  }
0x3e: {  	s0 =	sand.u32 $0xFFFFF80, s4  }
0x3f: {  	s0 =	sadd.s32 s2, s0;
	s5 =	spop (v2sf);
	(v2sf) =	vpush v19, $0x6  }
0x40: {  	[tilespmem:s29], [sflag:$0xC] =	stream.strided.gather [hbm4b:s0+s10], $0x1000, s11, s10, $0x38;
	[tilespmem:$0x10700] =	vst v63  }
0x41: {  	s0 =	sand.u32 $0xFFFFF80, s5;
	s9 =	spop (v2sf);
	(v2sf) =	vpush v18, $0x7  }
0x42: {  	s0 =	sadd.s32 s1, s0  }
0x43: {  	[tilespmem:s30], [sflag:$0x5] =	stream.strided.gather [hbm4b:s0+s10], $0x1000, s11, s10, $0x38;
	[tilespmem:$0x10700] =	vst v63  }
0x44: {  	s0 =	sand.u32 $0xFFFFF80, s9;
	s17 =	spop (v2sf);
	(v2sf) =	vpush v19, $0x7  }
0x45: {  	s0 =	sadd.s32 s2, s0  }
0x46: {  	[tilespmem:s31], [sflag:$0xD] =	stream.strided.gather [hbm4b:s0+s10], $0x1000, s11, s10, $0x38;
	[tilespmem:$0x10700] =	vst v63  }
0x47: {  	s24 =	spop (v2sf);
	s0 =	sand.u32 $0xFFFFF80, s17  }
0x48: {  	s4 =	sand.u32 $0xFFFFF80, s24;
	s0 =	sadd.s32 s1, s0;
	s5 =	spop (v2sf)  }
0x49: {  	[tilespmem:s6], [sflag:$0x6] =	stream.strided.gather [hbm4b:s0+s10], $0x1000, s11, s10, $0x38;
	[tilespmem:$0x10700] =	vst v63  }
0x4a: {  	s0 =	sadd.s32 s2, s4;
	s6 =	sand.u32 $0xFFFFF80, s5  }
0x4b: {  	[tilespmem:s7], [sflag:$0xE] =	stream.strided.gather [hbm4b:s0+s10], $0x1000, s11, s10, $0x38;
	[tilespmem:$0x10700] =	vst v63  }
0x4c: {  	s0 =	sadd.s32 s1, s6  }
0x4d: {  	[tilespmem:s8], [sflag:$0x7] =	stream.strided.gather [hbm4b:s0+s10], $0x1000, s11, s10, $0x38;
	[tilespmem:$0x10700] =	vst v63  }
0x4e: {  	s7 =	spop (v2sf)  }
0x4f: {  	s9 =	sand.u32 $0xFFFFF80, s7  }
0x50: {  	s0 =	sadd.s32 s2, s9;
	s17 =	spop (v2sf)  }
0x51: {  	[tilespmem:s18], [sflag:$0xF] =	stream.strided.gather [hbm4b:s0+s10], $0x1000, s11, s10, $0x38;
	[tilespmem:$0x10700] =	vst v63  }
0x52: {  	s18 =	sand.u32 $0xFFFFF80, s17  }
0x53: {  	s24 =	spop (v2sf);
	s0 =	sadd.s32 s1, s18  }
0x54: {  	[tilespmem:s19], [sflag:$0x8] =	stream.strided.gather [hbm4b:s0+s10], $0x1000, s11, s10, $0x38;
	[tilespmem:$0x10700] =	vst v63  }
0x55: {  	s0 =	sand.u32 $0xFFFFF80, s24  }
0x56: {  	s3 =	simm.s32 $0x0;
	s6 =	simm.s32 $0xF;
	s0 =	sadd.s32 s2, s0  }
0x57: {  	[tilespmem:s20], [sflag:$0x10] =	stream.strided.gather [hbm4b:s0+s10], $0x1000, s11, s10, $0x38;
	[tilespmem:$0x10700] =	vst v63  }
0x58: {  	s8 =	simm.s32 $0x10;
	s18 =	simm.s32 $0xFFFFFFE0;
	s0 =	simm.s32 $0x500  }
.LBB2_2:
0x59: {  	s20 =	sadd.s32 $0x21, s18  }
0x5a: {  	[dreg:$0xc] =	wrdreg s0;
	v20 =	vld [tilespmem:s3+$0x0];
	s0 =	smin.u32 s20, $0x1F  }
0x5b: {  	[dreg:$0xd] =	wrdreg s3;
	v21 =	vld [tilespmem:s13+$0x0];
	s0 =	sshll.u32 s0, $0x4  }
0x5c: {  	[dreg:$0xb] =	wrdreg s13;
	v18 =	vld [tilespmem:s0+$0x0]  }
0x5d: {  	v19 =	vld [tilespmem:s0+$0x200];
	_ =	swait.ge [sflag:s23], $0x1000  }
0x5e: {  	[sflag:s23] =	ssyncset.done $0x0  }
0x5f: {  	[sflag:s23] =	ssyncadd.s32 $0xFFFFF000  }
0x60: {  	_ =	swait.ge [sflag:s12], $0x1000  }
0x61: {  	(v2sf) =	vpush v20, $0x0;
	_ =	sdelay $0x1  }
0x62: {  	(v2sf) =	vpush v21, $0x0;
	_ =	sdelay $0xa  }
0x63: {  	(v2sf) =	vpush v20, $0x8  }
0x64: {  	(v2sf) =	vpush v21, $0x8  }
0x65: {  	s23 =	spop (v2sf)  }
0x66: {  	s0 =	sand.u32 $0x7F, s23  }
0x67: {  	s24 =	spop (v2sf);
	v22 =	vor.u32 s0, v0  }
0x68: {  	s3 =	sand.u32 $0x7F, s24;
	v23 =	vor.u32 s0, v2  }
0x69: {  	v24 =	vor.u32 s3, v0  }
0x6a: {  	[sflag:s12] =	ssyncset.done $0x0;
	v25 =	vor.u32 s3, v2  }
0x6b: {  	s9 =	simm.s32 $0x700;
	[sflag:s12] =	ssyncadd.s32 $0xFFFFF000  }
0x6c: {  	v22 =	vld.idx.msk [tilespmem:v22+s9+$0x0], $0xffff  }
0x6d: {  	s4 =	simm.s32 $0x8700;
	v23 =	vld.idx.msk [tilespmem:v23+s9+$0x0], $0xffff  }
0x6e: {  	v24 =	vld.idx.msk [tilespmem:v24+s4+$0x0], $0xffff  }
0x6f: {  	v25 =	vld.idx.msk [tilespmem:v25+s4+$0x0], $0xffff;
	_ =	sdelay $0x2  }
0x70: {  	s23 =	spop (v2sf)  }
0x71: {  	s7 =	sand.u32 $0xFFFFF80, s23;
	s24 =	spop (v2sf)  }
0x72: {  	s0 =	sadd.s32 s1, s7;
	s11 =	sand.u32 $0xFFFFF80, s24;
	v22 =	vmul.f32 v24, v22;
	v23 =	vmul.f32 v25, v23  }
0x73: {  	[tilespmem:s9], [sflag:$0x1] =	stream.strided.gather [hbm4b:s0+s10], $0x1000, s16, s10, $0x38;
	[tilespmem:$0x10700] =	vst v63  }
0x74: {  	s5 =	simm.s32 $0x8700;
	s0 =	sadd.s32 s2, s11;
	v22 =	vadd.f32 v23, v22  }
0x75: {  	[tilespmem:s5], [sflag:$0x9] =	stream.strided.gather [hbm4b:s0+s10], $0x1000, s16, s10, $0x38;
	[tilespmem:$0x10700] =	vst v63  }
0x76: {  	s11 =	simm.s32 $0x2;
	[tilespmem:$0x400] =	vst v22  }
0x77: {  	_ =	swait.ge [sflag:s11], $0x1000  }
0x78: {  	[sflag:s11] =	ssyncset.done $0x0  }
0x79: {  	s12 =	simm.s32 $0xA;
	[sflag:s11] =	ssyncadd.s32 $0xFFFFF000  }
0x7a: {  	_ =	swait.ge [sflag:s12], $0x1000  }
0x7b: {  	(v2sf) =	vpush v20, $0x1;
	_ =	sdelay $0x1  }
0x7c: {  	(v2sf) =	vpush v21, $0x1;
	_ =	sdelay $0xa  }
0x7d: {  	(v2sf) =	vpush v20, $0x9  }
0x7e: {  	(v2sf) =	vpush v21, $0x9  }
0x7f: {  	s0 =	spop (v2sf)  }
0x80: {  	s0 =	sand.u32 $0x7F, s0  }
0x81: {  	s13 =	spop (v2sf);
	v36 =	vor.u32 s0, v0  }
0x82: {  	s3 =	sand.u32 $0x7F, s13;
	v37 =	vor.u32 s0, v2  }
0x83: {  	s17 =	simm.s32 $0xA;
	v38 =	vor.u32 s3, v0  }
0x84: {  	[sflag:s17] =	ssyncset.done $0x0;
	v39 =	vor.u32 s3, v2  }
0x85: {  	[sflag:s17] =	ssyncadd.s32 $0xFFFFF000  }
0x86: {  	v22 =	vld.idx.msk [tilespmem:v36+s21+$0x0], $0xffff  }
0x87: {  	v23 =	vld.idx.msk [tilespmem:v37+s21+$0x0], $0xffff  }
0x88: {  	v24 =	vld.idx.msk [tilespmem:v38+s22+$0x0], $0xffff  }
0x89: {  	v25 =	vld.idx.msk [tilespmem:v39+s22+$0x0], $0xffff;
	_ =	sdelay $0x2  }
0x8a: {  	s21 =	spop (v2sf)  }
0x8b: {  	s20 =	sand.u32 $0xFFFFF80, s21;
	s22 =	spop (v2sf)  }
0x8c: {  	s19 =	simm.s32 $0x1700;
	s0 =	sadd.s32 s1, s20;
	s3 =	sand.u32 $0xFFFFF80, s22;
	v22 =	vmul.f32 v24, v22;
	v23 =	vmul.f32 v25, v23  }
0x8d: {  	[tilespmem:s19], [sflag:$0x2] =	stream.strided.gather [hbm4b:s0+s10], $0x1000, s16, s10, $0x38;
	[tilespmem:$0x10700] =	vst v63  }
0x8e: {  	s4 =	simm.s32 $0x9700;
	s0 =	sadd.s32 s2, s3;
	v22 =	vadd.f32 v23, v22  }
0x8f: {  	[tilespmem:s4], [sflag:$0xA] =	stream.strided.gather [hbm4b:s0+s10], $0x1000, s16, s10, $0x38;
	[tilespmem:$0x10700] =	vst v63  }
0x90: {  	s12 =	simm.s32 $0x3;
	[tilespmem:$0x410] =	vst v22  }
0x91: {  	_ =	swait.ge [sflag:s12], $0x1000  }
0x92: {  	[sflag:s12] =	ssyncset.done $0x0  }
0x93: {  	s5 =	simm.s32 $0xB;
	[sflag:s12] =	ssyncadd.s32 $0xFFFFF000  }
0x94: {  	_ =	swait.ge [sflag:s5], $0x1000  }
0x95: {  	(v2sf) =	vpush v20, $0x2;
	_ =	sdelay $0x1  }
0x96: {  	(v2sf) =	vpush v21, $0x2;
	_ =	sdelay $0xa  }
0x97: {  	(v2sf) =	vpush v20, $0xA  }
0x98: {  	(v2sf) =	vpush v21, $0xA  }
0x99: {  	s0 =	spop (v2sf)  }
0x9a: {  	s0 =	sand.u32 $0x7F, s0  }
0x9b: {  	s7 =	spop (v2sf);
	v40 =	vor.u32 s0, v0  }
0x9c: {  	s3 =	sand.u32 $0x7F, s7;
	v41 =	vor.u32 s0, v2  }
0x9d: {  	s13 =	simm.s32 $0xB;
	v42 =	vor.u32 s3, v0  }
0x9e: {  	[sflag:s13] =	ssyncset.done $0x0;
	v43 =	vor.u32 s3, v2  }
0x9f: {  	[sflag:s13] =	ssyncadd.s32 $0xFFFFF000  }
0xa0: {  	v22 =	vld.idx.msk [tilespmem:v40+s25+$0x0], $0xffff  }
0xa1: {  	v23 =	vld.idx.msk [tilespmem:v41+s25+$0x0], $0xffff  }
0xa2: {  	v24 =	vld.idx.msk [tilespmem:v42+s26+$0x0], $0xffff  }
0xa3: {  	v25 =	vld.idx.msk [tilespmem:v43+s26+$0x0], $0xffff;
	_ =	sdelay $0x2  }
0xa4: {  	s25 =	spop (v2sf)  }
0xa5: {  	s19 =	sand.u32 $0xFFFFF80, s25;
	s26 =	spop (v2sf)  }
0xa6: {  	s17 =	simm.s32 $0x2700;
	s0 =	sadd.s32 s1, s19;
	s3 =	sand.u32 $0xFFFFF80, s26;
	v22 =	vmul.f32 v24, v22;
	v23 =	vmul.f32 v25, v23  }
0xa7: {  	[tilespmem:s17], [sflag:$0x3] =	stream.strided.gather [hbm4b:s0+s10], $0x1000, s16, s10, $0x38;
	[tilespmem:$0x10700] =	vst v63  }
0xa8: {  	s20 =	simm.s32 $0xA700;
	s0 =	sadd.s32 s2, s3;
	v22 =	vadd.f32 v23, v22  }
0xa9: {  	[tilespmem:s20], [sflag:$0xB] =	stream.strided.gather [hbm4b:s0+s10], $0x1000, s16, s10, $0x38;
	[tilespmem:$0x10700] =	vst v63  }
0xaa: {  	[tilespmem:$0x420] =	vst v22  }
0xab: {  	_ =	swait.ge [sflag:s14], $0x1000  }
0xac: {  	[sflag:s14] =	ssyncset.done $0x0  }
0xad: {  	s5 =	simm.s32 $0xC;
	[sflag:s14] =	ssyncadd.s32 $0xFFFFF000  }
0xae: {  	_ =	swait.ge [sflag:s5], $0x1000  }
0xaf: {  	(v2sf) =	vpush v20, $0x3;
	_ =	sdelay $0x1  }
0xb0: {  	(v2sf) =	vpush v21, $0x3;
	_ =	sdelay $0xa  }
0xb1: {  	(v2sf) =	vpush v20, $0xB  }
0xb2: {  	(v2sf) =	vpush v21, $0xB  }
0xb3: {  	s0 =	spop (v2sf)  }
0xb4: {  	s0 =	sand.u32 $0x7F, s0  }
0xb5: {  	s7 =	spop (v2sf);
	v44 =	vor.u32 s0, v0  }
0xb6: {  	s3 =	sand.u32 $0x7F, s7;
	v45 =	vor.u32 s0, v2  }
0xb7: {  	s13 =	simm.s32 $0xC;
	v46 =	vor.u32 s3, v0  }
0xb8: {  	[sflag:s13] =	ssyncset.done $0x0;
	v47 =	vor.u32 s3, v2  }
0xb9: {  	[sflag:s13] =	ssyncadd.s32 $0xFFFFF000  }
0xba: {  	v22 =	vld.idx.msk [tilespmem:v44+s28+$0x0], $0xffff  }
0xbb: {  	v23 =	vld.idx.msk [tilespmem:v45+s28+$0x0], $0xffff  }
0xbc: {  	v24 =	vld.idx.msk [tilespmem:v46+s29+$0x0], $0xffff  }
0xbd: {  	v25 =	vld.idx.msk [tilespmem:v47+s29+$0x0], $0xffff;
	_ =	sdelay $0x2  }
0xbe: {  	s28 =	spop (v2sf)  }
0xbf: {  	s19 =	sand.u32 $0xFFFFF80, s28;
	s29 =	spop (v2sf)  }
0xc0: {  	s17 =	simm.s32 $0x3700;
	s0 =	sadd.s32 s1, s19;
	s3 =	sand.u32 $0xFFFFF80, s29;
	v22 =	vmul.f32 v24, v22;
	v23 =	vmul.f32 v25, v23  }
0xc1: {  	[tilespmem:s17], [sflag:$0x4] =	stream.strided.gather [hbm4b:s0+s10], $0x1000, s16, s10, $0x38;
	[tilespmem:$0x10700] =	vst v63  }
0xc2: {  	s20 =	simm.s32 $0xB700;
	s0 =	sadd.s32 s2, s3;
	v22 =	vadd.f32 v23, v22  }
0xc3: {  	[tilespmem:s20], [sflag:$0xC] =	stream.strided.gather [hbm4b:s0+s10], $0x1000, s16, s10, $0x38;
	[tilespmem:$0x10700] =	vst v63  }
0xc4: {  	s19 =	simm.s32 $0x5;
	[tilespmem:$0x430] =	vst v22  }
0xc5: {  	_ =	swait.ge [sflag:s19], $0x1000  }
0xc6: {  	[sflag:s19] =	ssyncset.done $0x0  }
0xc7: {  	s4 =	simm.s32 $0xD;
	[sflag:s19] =	ssyncadd.s32 $0xFFFFF000  }
0xc8: {  	_ =	swait.ge [sflag:s4], $0x1000  }
0xc9: {  	(v2sf) =	vpush v20, $0x4;
	_ =	sdelay $0x1  }
0xca: {  	(v2sf) =	vpush v21, $0x4;
	_ =	sdelay $0xa  }
0xcb: {  	(v2sf) =	vpush v20, $0xC  }
0xcc: {  	(v2sf) =	vpush v21, $0xC  }
0xcd: {  	s0 =	spop (v2sf)  }
0xce: {  	s0 =	sand.u32 $0x7F, s0  }
0xcf: {  	s5 =	spop (v2sf);
	v48 =	vor.u32 s0, v0  }
0xd0: {  	s3 =	sand.u32 $0x7F, s5;
	v49 =	vor.u32 s0, v2  }
0xd1: {  	s7 =	simm.s32 $0xD;
	v50 =	vor.u32 s3, v0  }
0xd2: {  	[sflag:s7] =	ssyncset.done $0x0;
	v51 =	vor.u32 s3, v2  }
0xd3: {  	[sflag:s7] =	ssyncadd.s32 $0xFFFFF000  }
0xd4: {  	v22 =	vld.idx.msk [tilespmem:v48+s30+$0x0], $0xffff  }
0xd5: {  	v23 =	vld.idx.msk [tilespmem:v49+s30+$0x0], $0xffff  }
0xd6: {  	v24 =	vld.idx.msk [tilespmem:v50+s31+$0x0], $0xffff  }
0xd7: {  	v25 =	vld.idx.msk [tilespmem:v51+s31+$0x0], $0xffff;
	_ =	sdelay $0x2  }
0xd8: {  	s30 =	spop (v2sf)  }
0xd9: {  	s17 =	sand.u32 $0xFFFFF80, s30;
	s31 =	spop (v2sf)  }
0xda: {  	s13 =	simm.s32 $0x4700;
	s0 =	sadd.s32 s1, s17;
	s3 =	sand.u32 $0xFFFFF80, s31;
	v22 =	vmul.f32 v24, v22;
	v23 =	vmul.f32 v25, v23  }
0xdb: {  	[tilespmem:s13], [sflag:$0x5] =	stream.strided.gather [hbm4b:s0+s10], $0x1000, s16, s10, $0x38;
	[tilespmem:$0x10700] =	vst v63  }
0xdc: {  	s20 =	simm.s32 $0xC700;
	s0 =	sadd.s32 s2, s3;
	v22 =	vadd.f32 v23, v22  }
0xdd: {  	[tilespmem:s20], [sflag:$0xD] =	stream.strided.gather [hbm4b:s0+s10], $0x1000, s16, s10, $0x38;
	[tilespmem:$0x10700] =	vst v63  }
0xde: {  	[tilespmem:$0x440] =	vst v22  }
0xdf: {  	_ =	swait.ge [sflag:s15], $0x1000  }
0xe0: {  	[sflag:s15] =	ssyncset.done $0x0  }
0xe1: {  	s13 =	simm.s32 $0xE;
	[sflag:s15] =	ssyncadd.s32 $0xFFFFF000  }
0xe2: {  	_ =	swait.ge [sflag:s13], $0x1000  }
0xe3: {  	(v2sf) =	vpush v20, $0x5;
	_ =	sdelay $0x1  }
0xe4: {  	(v2sf) =	vpush v21, $0x5;
	_ =	sdelay $0xa  }
0xe5: {  	(v2sf) =	vpush v20, $0xD  }
0xe6: {  	(v2sf) =	vpush v21, $0xD  }
0xe7: {  	s5 =	spop (v2sf)  }
0xe8: {  	s0 =	sand.u32 $0x7F, s5  }
0xe9: {  	s7 =	spop (v2sf);
	v52 =	vor.u32 s0, v0  }
0xea: {  	s3 =	sand.u32 $0x7F, s7;
	v53 =	vor.u32 s0, v2  }
0xeb: {  	v54 =	vor.u32 s3, v0  }
0xec: {  	[sflag:s13] =	ssyncset.done $0x0;
	v55 =	vor.u32 s3, v2  }
0xed: {  	s17 =	simm.s32 $0x5700;
	[sflag:s13] =	ssyncadd.s32 $0xFFFFF000  }
0xee: {  	v22 =	vld.idx.msk [tilespmem:v52+s17+$0x0], $0xffff  }
0xef: {  	s20 =	simm.s32 $0xD700;
	v23 =	vld.idx.msk [tilespmem:v53+s17+$0x0], $0xffff  }
0xf0: {  	v24 =	vld.idx.msk [tilespmem:v54+s20+$0x0], $0xffff  }
0xf1: {  	v25 =	vld.idx.msk [tilespmem:v55+s20+$0x0], $0xffff;
	_ =	sdelay $0x2  }
0xf2: {  	s3 =	spop (v2sf)  }
0xf3: {  	[dreg:$0xe] =	wrdreg s3;
	s5 =	sand.u32 $0xFFFFF80, s3;
	s3 =	spop (v2sf)  }
0xf4: {  	s5 =	sadd.s32 s1, s5;
	s4 =	sand.u32 $0xFFFFF80, s3;
	v22 =	vmul.f32 v24, v22;
	v23 =	vmul.f32 v25, v23  }
0xf5: {  	[tilespmem:s17], [sflag:$0x6] =	stream.strided.gather [hbm4b:s5+s10], $0x1000, s16, s10, $0x38;
	[tilespmem:$0x10700] =	vst v63  }
0xf6: {  	s7 =	simm.s32 $0xD700;
	s5 =	sadd.s32 s2, s4;
	v22 =	vadd.f32 v23, v22  }
0xf7: {  	[tilespmem:s7], [sflag:$0xE] =	stream.strided.gather [hbm4b:s5+s10], $0x1000, s16, s10, $0x38;
	[tilespmem:$0x10700] =	vst v63  }
0xf8: {  	s20 =	simm.s32 $0x7;
	[tilespmem:$0x450] =	vst v22  }
0xf9: {  	_ =	swait.ge [sflag:s20], $0x1000  }
0xfa: {  	[sflag:s20] =	ssyncset.done $0x0  }
0xfb: {  	[sflag:s20] =	ssyncadd.s32 $0xFFFFF000  }
0xfc: {  	_ =	swait.ge [sflag:s6], $0x1000  }
0xfd: {  	(v2sf) =	vpush v20, $0x6;
	_ =	sdelay $0x1  }
0xfe: {  	(v2sf) =	vpush v21, $0x6;
	_ =	sdelay $0x9  }
0xff: {  	(v2sf) =	vpush v20, $0xE;
	_ =	sdelay $0x1  }
0x100: {  	(v2sf) =	vpush v21, $0xE  }
0x101: {  	s17 =	spop (v2sf)  }
0x102: {  	s5 =	sand.u32 $0x7F, s17  }
0x103: {  	s6 =	spop (v2sf);
	v56 =	vor.u32 s5, v0  }
0x104: {  	s6 =	sand.u32 $0x7F, s6;
	v57 =	vor.u32 s5, v2  }
0x105: {  	s0 =	simm.s32 $0xF;
	v58 =	vor.u32 s6, v0  }
0x106: {  	[sflag:s0] =	ssyncset.done $0x0;
	v59 =	vor.u32 s6, v2;
	s6 =	simm.s32 $0xF  }
0x107: {  	s7 =	simm.s32 $0x6700;
	[sflag:s6] =	ssyncadd.s32 $0xFFFFF000  }
0x108: {  	v22 =	vld.idx.msk [tilespmem:v56+s7+$0x0], $0xffff  }
0x109: {  	s17 =	simm.s32 $0xE700;
	v23 =	vld.idx.msk [tilespmem:v57+s7+$0x0], $0xffff  }
0x10a: {  	v24 =	vld.idx.msk [tilespmem:v58+s17+$0x0], $0xffff  }
0x10b: {  	v25 =	vld.idx.msk [tilespmem:v59+s17+$0x0], $0xffff;
	_ =	sdelay $0x1  }
0x10c: {  	s5 =	spop (v2sf)  }
0x10d: {  	s7 =	sand.u32 $0xFFFFF80, s5  }
0x10e: {  	s0 =	simm.s32 $0x6700;
	s6 =	spop (v2sf);
	s7 =	sadd.s32 s1, s7  }
0x10f: {  	[tilespmem:s0], [sflag:$0x7] =	stream.strided.gather [hbm4b:s7+s10], $0x1000, s16, s10, $0x38;
	v22 =	vmul.f32 v24, v22;
	v23 =	vmul.f32 v25, v23;
	[tilespmem:$0x10700] =	vst v63  }
0x110: {  	s0 =	sand.u32 $0xFFFFF80, s6  }
0x111: {  	s17 =	simm.s32 $0xE700;
	s7 =	sadd.s32 s2, s0;
	v22 =	vadd.f32 v23, v22  }
0x112: {  	[tilespmem:s17], [sflag:$0xF] =	stream.strided.gather [hbm4b:s7+s10], $0x1000, s16, s10, $0x38;
	[tilespmem:$0x10700] =	vst v63  }
0x113: {  	s4 =	simm.s32 $0x8;
	[tilespmem:$0x460] =	vst v22  }
0x114: {  	_ =	swait.ge [sflag:s4], $0x1000  }
0x115: {  	[sflag:s4] =	ssyncset.done $0x0  }
0x116: {  	[sflag:s4] =	ssyncadd.s32 $0xFFFFF000  }
0x117: {  	_ =	swait.ge [sflag:s8], $0x1000  }
0x118: {  	(v2sf) =	vpush v20, $0x7;
	_ =	sdelay $0x1  }
0x119: {  	(v2sf) =	vpush v21, $0x7;
	_ =	sdelay $0x9  }
0x11a: {  	(v2sf) =	vpush v20, $0xF;
	_ =	sdelay $0x1  }
0x11b: {  	(v2sf) =	vpush v21, $0xF  }
0x11c: {  	s4 =	spop (v2sf)  }
0x11d: {  	s7 =	sand.u32 $0x7F, s4  }
0x11e: {  	s8 =	spop (v2sf);
	v60 =	vor.u32 s7, v0  }
0x11f: {  	s8 =	sand.u32 $0x7F, s8;
	v61 =	vor.u32 s7, v2  }
0x120: {  	s7 =	simm.s32 $0x10;
	v62 =	vor.u32 s8, v0  }
0x121: {  	[sflag:s7] =	ssyncset.done $0x0;
	v63 =	vor.u32 s8, v2;
	s8 =	simm.s32 $0x10  }
0x122: {  	s17 =	simm.s32 $0x7700;
	[sflag:s8] =	ssyncadd.s32 $0xFFFFF000  }
0x123: {  	v20 =	vld.idx.msk [tilespmem:v60+s17+$0x0], $0xffff  }
0x124: {  	v21 =	vld.idx.msk [tilespmem:v61+s17+$0x0], $0xffff;
	s17 =	simm.s32 $0xF700  }
0x125: {  	v22 =	vld.idx.msk [tilespmem:v62+s17+$0x0], $0xffff  }
0x126: {  	v23 =	vld.idx.msk [tilespmem:v63+s17+$0x0], $0xffff;
	_ =	sdelay $0x1  }
0x127: {  	s7 =	spop (v2sf)  }
0x128: {  	s4 =	sand.u32 $0xFFFFF80, s7  }
0x129: {  	s0 =	simm.s32 $0x7700;
	s8 =	spop (v2sf);
	s4 =	sadd.s32 s1, s4  }
0x12a: {  	[tilespmem:s0], [sflag:$0x8] =	stream.strided.gather [hbm4b:s4+s10], $0x1000, s16, s10, $0x38;
	v20 =	vmul.f32 v22, v20;
	v21 =	vmul.f32 v23, v21;
	[tilespmem:$0x10700] =	vst v63  }
0x12b: {  	s0 =	sand.u32 $0xFFFFF80, s8  }
0x12c: {  	s4 =	sadd.s32 s2, s0;
	v20 =	vadd.f32 v21, v20  }
0x12d: {  	[tilespmem:s17], [sflag:$0x10] =	stream.strided.gather [hbm4b:s4+s10], $0x1000, s16, s10, $0x38;
	[tilespmem:$0x10700] =	vst v63  }
0x12e: {  	s0 =	simm.s32 $0x1;
	[tilespmem:$0x470] =	vst v20  }
0x12f: {  	_ =	swait.ge [sflag:s0], $0x1000;
	s0 =	simm.s32 $0x1  }
0x130: {  	[sflag:s0] =	ssyncset.done $0x0;
	s0 =	simm.s32 $0x1  }
0x131: {  	[sflag:s0] =	ssyncadd.s32 $0xFFFFF000;
	s0 =	simm.s32 $0x9  }
0x132: {  	p0 =	seq.s32 s18, $0xFFFFFFFF;
	_ =	swait.ge [sflag:s0], $0x1000  }
0x133: {  	(v2sf) =	vpush @!p0 v18, $0x0;
	_ =	sdelay $0x3  }
0x134: {  	(v2sf) =	vpush @!p0 v19, $0x0  }
0x135: {  	s23 =	sand.u32 $0x7F, s23  }
0x136: {  	v24 =	vor.u32 s23, v0  }
0x137: {  	s24 =	sand.u32 $0x7F, s24;
	v25 =	vor.u32 s23, v2  }
0x138: {  	v26 =	vor.u32 s24, v0;
	s0 =	simm.s32 $0x9  }
0x139: {  	v27 =	vor.u32 s24, v2;
	s24 =	simm.s32 $0x9;
	[sflag:s0] =	ssyncset.done $0x0  }
0x13a: {  	[sflag:s24] =	ssyncadd.s32 $0xFFFFF000  }
0x13b: {  	v20 =	vld.idx.msk [tilespmem:v24+s9+$0x0], $0xffff  }
0x13c: {  	s0 =	simm.s32 $0x8700;
	v21 =	vld.idx.msk [tilespmem:v25+s9+$0x0], $0xffff  }
0x13d: {  	v22 =	vld.idx.msk [tilespmem:v26+s0+$0x0], $0xffff  }
0x13e: {  	v23 =	vld.idx.msk [tilespmem:v27+s0+$0x0], $0xffff  }
0x13f: {  	s4 =	spop @!p0 (v2sf)  }
0x140: {  	s23 =	simm.s32 @!p0 $0x400;
	s4 =	sand.u32 @!p0 $0xFFFFF80, s4  }
0x141: {  	s24 =	simm.s32 @!p0 $0x7A1400;
	s9 =	simm.s32 @!p0 $0x700;
	s4 =	sadd.s32 @!p0 s1, s4  }
0x142: {  	[tilespmem:s9], [sflag:$0x1] =	stream.strided.gather @!p0 [hbm4b:s4+s23], $0x1000, s24, s23, $0x38;
	[tilespmem:$0x10700] =	vst v63  }
0x143: {  	v20 =	vmul.f32 v22, v20;
	v21 =	vmul.f32 v23, v21;
	s4 =	spop @!p0 (v2sf)  }
0x144: {  	s4 =	sand.u32 @!p0 $0xFFFFF80, s4  }
0x145: {  	v20 =	vadd.f32 v21, v20;
	s9 =	simm.s32 @!p0 $0x8700;
	s4 =	sadd.s32 @!p0 s2, s4  }
0x146: {  	[tilespmem:s9], [sflag:$0x9] =	stream.strided.gather @!p0 [hbm4b:s4+s23], $0x1000, s24, s23, $0x38;
	[tilespmem:$0x10700] =	vst v63  }
0x147: {  	[tilespmem:$0x480] =	vst v20  }
0x148: {  	_ =	swait.ge [sflag:s11], $0x1000  }
0x149: {  	[sflag:s11] =	ssyncset.done $0x0  }
0x14a: {  	[sflag:s11] =	ssyncadd.s32 $0xFFFFF000;
	s11 =	simm.s32 $0xA  }
0x14b: {  	_ =	swait.ge [sflag:s11], $0x1000  }
0x14c: {  	(v2sf) =	vpush @!p0 v18, $0x1;
	_ =	sdelay $0x3  }
0x14d: {  	(v2sf) =	vpush @!p0 v19, $0x1  }
0x14e: {  	s9 =	sand.u32 $0x7F, s21  }
0x14f: {  	v28 =	vor.u32 s9, v0  }
0x150: {  	s0 =	sand.u32 $0x7F, s22;
	v29 =	vor.u32 s9, v2  }
0x151: {  	v30 =	vor.u32 s0, v0  }
0x152: {  	v31 =	vor.u32 s0, v2;
	[sflag:s11] =	ssyncset.done $0x0;
	s11 =	simm.s32 $0xA  }
0x153: {  	s21 =	simm.s32 $0x1700;
	[sflag:s11] =	ssyncadd.s32 $0xFFFFF000  }
0x154: {  	v20 =	vld.idx.msk [tilespmem:v28+s21+$0x0], $0xffff  }
0x155: {  	s22 =	simm.s32 $0x9700;
	v21 =	vld.idx.msk [tilespmem:v29+s21+$0x0], $0xffff  }
0x156: {  	v22 =	vld.idx.msk [tilespmem:v30+s22+$0x0], $0xffff  }
0x157: {  	v23 =	vld.idx.msk [tilespmem:v31+s22+$0x0], $0xffff  }
0x158: {  	s4 =	spop @!p0 (v2sf)  }
0x159: {  	s4 =	sand.u32 @!p0 $0xFFFFF80, s4  }
0x15a: {  	s9 =	simm.s32 @!p0 $0x1700;
	s4 =	sadd.s32 @!p0 s1, s4  }
0x15b: {  	[tilespmem:s9], [sflag:$0x2] =	stream.strided.gather @!p0 [hbm4b:s4+s23], $0x1000, s24, s23, $0x38;
	[tilespmem:$0x10700] =	vst v63  }
0x15c: {  	v20 =	vmul.f32 v22, v20;
	v21 =	vmul.f32 v23, v21;
	s4 =	spop @!p0 (v2sf)  }
0x15d: {  	s4 =	sand.u32 @!p0 $0xFFFFF80, s4  }
0x15e: {  	v20 =	vadd.f32 v21, v20;
	s9 =	simm.s32 @!p0 $0x9700;
	s4 =	sadd.s32 @!p0 s2, s4  }
0x15f: {  	[tilespmem:s9], [sflag:$0xA] =	stream.strided.gather @!p0 [hbm4b:s4+s23], $0x1000, s24, s23, $0x38;
	[tilespmem:$0x10700] =	vst v63  }
0x160: {  	[tilespmem:$0x490] =	vst v20  }
0x161: {  	_ =	swait.ge [sflag:s12], $0x1000  }
0x162: {  	[sflag:s12] =	ssyncset.done $0x0  }
0x163: {  	s0 =	simm.s32 $0xB;
	[sflag:s12] =	ssyncadd.s32 $0xFFFFF000  }
0x164: {  	_ =	swait.ge [sflag:s0], $0x1000  }
0x165: {  	(v2sf) =	vpush @!p0 v18, $0x2;
	_ =	sdelay $0x3  }
0x166: {  	(v2sf) =	vpush @!p0 v19, $0x2  }
0x167: {  	s9 =	sand.u32 $0x7F, s25  }
0x168: {  	v32 =	vor.u32 s9, v0  }
0x169: {  	v33 =	vor.u32 s9, v2;
	s12 =	sand.u32 $0x7F, s26  }
0x16a: {  	v34 =	vor.u32 s12, v0  }
0x16b: {  	v35 =	vor.u32 s12, v2;
	[sflag:s0] =	ssyncset.done $0x0;
	s0 =	simm.s32 $0xB  }
0x16c: {  	s25 =	simm.s32 $0x2700;
	[sflag:s0] =	ssyncadd.s32 $0xFFFFF000  }
0x16d: {  	v20 =	vld.idx.msk [tilespmem:v32+s25+$0x0], $0xffff  }
0x16e: {  	s26 =	simm.s32 $0xA700;
	v21 =	vld.idx.msk [tilespmem:v33+s25+$0x0], $0xffff  }
0x16f: {  	v22 =	vld.idx.msk [tilespmem:v34+s26+$0x0], $0xffff  }
0x170: {  	v23 =	vld.idx.msk [tilespmem:v35+s26+$0x0], $0xffff  }
0x171: {  	s4 =	spop @!p0 (v2sf)  }
0x172: {  	s4 =	sand.u32 @!p0 $0xFFFFF80, s4  }
0x173: {  	s9 =	simm.s32 @!p0 $0x2700;
	s4 =	sadd.s32 @!p0 s1, s4  }
0x174: {  	[tilespmem:s9], [sflag:$0x3] =	stream.strided.gather @!p0 [hbm4b:s4+s23], $0x1000, s24, s23, $0x38;
	[tilespmem:$0x10700] =	vst v63  }
0x175: {  	v20 =	vmul.f32 v22, v20;
	v21 =	vmul.f32 v23, v21;
	s4 =	spop @!p0 (v2sf)  }
0x176: {  	s4 =	sand.u32 @!p0 $0xFFFFF80, s4  }
0x177: {  	v20 =	vadd.f32 v21, v20;
	s9 =	simm.s32 @!p0 $0xA700;
	s4 =	sadd.s32 @!p0 s2, s4  }
0x178: {  	[tilespmem:s9], [sflag:$0xB] =	stream.strided.gather @!p0 [hbm4b:s4+s23], $0x1000, s24, s23, $0x38;
	[tilespmem:$0x10700] =	vst v63  }
0x179: {  	[tilespmem:$0x4A0] =	vst v20  }
0x17a: {  	_ =	swait.ge [sflag:s14], $0x1000  }
0x17b: {  	[sflag:s14] =	ssyncset.done $0x0  }
0x17c: {  	s9 =	simm.s32 $0xC;
	[sflag:s14] =	ssyncadd.s32 $0xFFFFF000  }
0x17d: {  	_ =	swait.ge [sflag:s9], $0x1000  }
0x17e: {  	(v2sf) =	vpush @!p0 v18, $0x3;
	_ =	sdelay $0x3  }
0x17f: {  	(v2sf) =	vpush @!p0 v19, $0x3  }
0x180: {  	s12 =	sand.u32 $0x7F, s28  }
0x181: {  	v36 =	vor.u32 s12, v0  }
0x182: {  	v37 =	vor.u32 s12, v2;
	s0 =	sand.u32 $0x7F, s29  }
0x183: {  	v38 =	vor.u32 s0, v0  }
0x184: {  	s12 =	simm.s32 $0xC;
	v39 =	vor.u32 s0, v2;
	[sflag:s9] =	ssyncset.done $0x0  }
0x185: {  	s28 =	simm.s32 $0x3700;
	[sflag:s12] =	ssyncadd.s32 $0xFFFFF000  }
0x186: {  	v20 =	vld.idx.msk [tilespmem:v36+s28+$0x0], $0xffff  }
0x187: {  	s29 =	simm.s32 $0xB700;
	v21 =	vld.idx.msk [tilespmem:v37+s28+$0x0], $0xffff  }
0x188: {  	v22 =	vld.idx.msk [tilespmem:v38+s29+$0x0], $0xffff  }
0x189: {  	v23 =	vld.idx.msk [tilespmem:v39+s29+$0x0], $0xffff  }
0x18a: {  	s4 =	spop @!p0 (v2sf)  }
0x18b: {  	s4 =	sand.u32 @!p0 $0xFFFFF80, s4  }
0x18c: {  	s9 =	simm.s32 @!p0 $0x3700;
	s4 =	sadd.s32 @!p0 s1, s4  }
0x18d: {  	[tilespmem:s9], [sflag:$0x4] =	stream.strided.gather @!p0 [hbm4b:s4+s23], $0x1000, s24, s23, $0x38;
	[tilespmem:$0x10700] =	vst v63  }
0x18e: {  	v20 =	vmul.f32 v22, v20;
	v21 =	vmul.f32 v23, v21;
	s4 =	spop @!p0 (v2sf)  }
0x18f: {  	s4 =	sand.u32 @!p0 $0xFFFFF80, s4  }
0x190: {  	v20 =	vadd.f32 v21, v20;
	s9 =	simm.s32 @!p0 $0xB700;
	s4 =	sadd.s32 @!p0 s2, s4  }
0x191: {  	[tilespmem:s9], [sflag:$0xC] =	stream.strided.gather @!p0 [hbm4b:s4+s23], $0x1000, s24, s23, $0x38;
	[tilespmem:$0x10700] =	vst v63  }
0x192: {  	[tilespmem:$0x4B0] =	vst v20  }
0x193: {  	_ =	swait.ge [sflag:s19], $0x1000  }
0x194: {  	[sflag:s19] =	ssyncset.done $0x0  }
0x195: {  	[sflag:s19] =	ssyncadd.s32 $0xFFFFF000;
	s19 =	simm.s32 $0xD  }
0x196: {  	_ =	swait.ge [sflag:s19], $0x1000  }
0x197: {  	(v2sf) =	vpush @!p0 v18, $0x4;
	_ =	sdelay $0x3  }
0x198: {  	(v2sf) =	vpush @!p0 v19, $0x4  }
0x199: {  	s9 =	sand.u32 $0x7F, s30  }
0x19a: {  	v40 =	vor.u32 s9, v0  }
0x19b: {  	s11 =	sand.u32 $0x7F, s31;
	v41 =	vor.u32 s9, v2  }
0x19c: {  	v42 =	vor.u32 s11, v0  }
0x19d: {  	v43 =	vor.u32 s11, v2;
	s12 =	simm.s32 $0xD;
	[sflag:s19] =	ssyncset.done $0x0  }
0x19e: {  	s30 =	simm.s32 $0x4700;
	[sflag:s12] =	ssyncadd.s32 $0xFFFFF000  }
0x19f: {  	v20 =	vld.idx.msk [tilespmem:v40+s30+$0x0], $0xffff  }
0x1a0: {  	s31 =	simm.s32 $0xC700;
	v21 =	vld.idx.msk [tilespmem:v41+s30+$0x0], $0xffff  }
0x1a1: {  	v22 =	vld.idx.msk [tilespmem:v42+s31+$0x0], $0xffff  }
0x1a2: {  	v23 =	vld.idx.msk [tilespmem:v43+s31+$0x0], $0xffff  }
0x1a3: {  	s4 =	spop @!p0 (v2sf)  }
0x1a4: {  	s4 =	sand.u32 @!p0 $0xFFFFF80, s4  }
0x1a5: {  	s9 =	simm.s32 @!p0 $0x4700;
	s4 =	sadd.s32 @!p0 s1, s4  }
0x1a6: {  	[tilespmem:s9], [sflag:$0x5] =	stream.strided.gather @!p0 [hbm4b:s4+s23], $0x1000, s24, s23, $0x38;
	[tilespmem:$0x10700] =	vst v63  }
0x1a7: {  	v20 =	vmul.f32 v22, v20;
	v21 =	vmul.f32 v23, v21;
	s4 =	spop @!p0 (v2sf)  }
0x1a8: {  	s4 =	sand.u32 @!p0 $0xFFFFF80, s4  }
0x1a9: {  	v20 =	vadd.f32 v21, v20;
	s9 =	simm.s32 @!p0 $0xC700;
	s4 =	sadd.s32 @!p0 s2, s4  }
0x1aa: {  	[tilespmem:s9], [sflag:$0xD] =	stream.strided.gather @!p0 [hbm4b:s4+s23], $0x1000, s24, s23, $0x38;
	[tilespmem:$0x10700] =	vst v63  }
0x1ab: {  	[tilespmem:$0x4C0] =	vst v20  }
0x1ac: {  	_ =	swait.ge [sflag:s15], $0x1000  }
0x1ad: {  	[sflag:s15] =	ssyncset.done $0x0  }
0x1ae: {  	[sflag:s15] =	ssyncadd.s32 $0xFFFFF000  }
0x1af: {  	_ =	swait.ge [sflag:s13], $0x1000  }
0x1b0: {  	(v2sf) =	vpush @!p0 v18, $0x5;
	_ =	sdelay $0x3  }
0x1b1: {  	(v2sf) =	vpush @!p0 v19, $0x5  }
0x1b2: {  	s3 =	sand.u32 $0x7F, s3  }
0x1b3: {  	v46 =	vor.u32 s3, v0;
	s19 =	rddreg [dreg:$0xe]  }
0x1b4: {  	v47 =	vor.u32 s3, v2;
	s0 =	sand.u32 $0x7F, s19  }
0x1b5: {  	v44 =	vor.u32 s0, v0  }
0x1b6: {  	[sflag:s13] =	ssyncset.done $0x0;
	v45 =	vor.u32 s0, v2  }
0x1b7: {  	s9 =	simm.s32 $0xD700;
	[sflag:s13] =	ssyncadd.s32 $0xFFFFF000  }
0x1b8: {  	v22 =	vld.idx.msk [tilespmem:v46+s9+$0x0], $0xffff  }
0x1b9: {  	s4 =	simm.s32 $0x5700;
	v23 =	vld.idx.msk [tilespmem:v47+s9+$0x0], $0xffff  }
0x1ba: {  	v20 =	vld.idx.msk [tilespmem:v44+s4+$0x0], $0xffff  }
0x1bb: {  	v21 =	vld.idx.msk [tilespmem:v45+s4+$0x0], $0xffff  }
0x1bc: {  	s0 =	spop @!p0 (v2sf)  }
0x1bd: {  	s0 =	sand.u32 @!p0 $0xFFFFF80, s0  }
0x1be: {  	s3 =	simm.s32 @!p0 $0x5700;
	s0 =	sadd.s32 @!p0 s1, s0  }
0x1bf: {  	[tilespmem:s3], [sflag:$0x6] =	stream.strided.gather @!p0 [hbm4b:s0+s23], $0x1000, s24, s23, $0x38;
	[tilespmem:$0x10700] =	vst v63  }
0x1c0: {  	v20 =	vmul.f32 v22, v20;
	v21 =	vmul.f32 v23, v21;
	s0 =	spop @!p0 (v2sf)  }
0x1c1: {  	s0 =	sand.u32 @!p0 $0xFFFFF80, s0  }
0x1c2: {  	v20 =	vadd.f32 v21, v20;
	s3 =	simm.s32 @!p0 $0xD700;
	s0 =	sadd.s32 @!p0 s2, s0  }
0x1c3: {  	[tilespmem:s3], [sflag:$0xE] =	stream.strided.gather @!p0 [hbm4b:s0+s23], $0x1000, s24, s23, $0x38;
	[tilespmem:$0x10700] =	vst v63  }
0x1c4: {  	[tilespmem:$0x4D0] =	vst v20  }
0x1c5: {  	_ =	swait.ge [sflag:s20], $0x1000  }
0x1c6: {  	[sflag:s20] =	ssyncset.done $0x0  }
0x1c7: {  	s11 =	simm.s32 $0xF;
	[sflag:s20] =	ssyncadd.s32 $0xFFFFF000  }
0x1c8: {  	_ =	swait.ge [sflag:s11], $0x1000  }
0x1c9: {  	(v2sf) =	vpush @!p0 v18, $0x6;
	_ =	sdelay $0x3  }
0x1ca: {  	(v2sf) =	vpush @!p0 v19, $0x6  }
0x1cb: {  	s19 =	sand.u32 $0x7F, s5  }
0x1cc: {  	v48 =	vor.u32 s19, v0  }
0x1cd: {  	v49 =	vor.u32 s19, v2;
	s20 =	sand.u32 $0x7F, s6  }
0x1ce: {  	s6 =	simm.s32 $0xF;
	v50 =	vor.u32 s20, v0  }
0x1cf: {  	v51 =	vor.u32 s20, v2;
	[sflag:s6] =	ssyncset.done $0x0  }
0x1d0: {  	s3 =	simm.s32 $0x6700;
	[sflag:s6] =	ssyncadd.s32 $0xFFFFF000  }
0x1d1: {  	v20 =	vld.idx.msk [tilespmem:v48+s3+$0x0], $0xffff  }
0x1d2: {  	s5 =	simm.s32 $0xE700;
	v21 =	vld.idx.msk [tilespmem:v49+s3+$0x0], $0xffff  }
0x1d3: {  	v22 =	vld.idx.msk [tilespmem:v50+s5+$0x0], $0xffff  }
0x1d4: {  	v23 =	vld.idx.msk [tilespmem:v51+s5+$0x0], $0xffff  }
0x1d5: {  	s0 =	spop @!p0 (v2sf)  }
0x1d6: {  	s0 =	sand.u32 @!p0 $0xFFFFF80, s0  }
0x1d7: {  	s3 =	simm.s32 @!p0 $0x6700;
	s0 =	sadd.s32 @!p0 s1, s0  }
0x1d8: {  	[tilespmem:s3], [sflag:$0x7] =	stream.strided.gather @!p0 [hbm4b:s0+s23], $0x1000, s24, s23, $0x38;
	[tilespmem:$0x10700] =	vst v63  }
0x1d9: {  	v20 =	vmul.f32 v22, v20;
	v21 =	vmul.f32 v23, v21;
	s0 =	spop @!p0 (v2sf)  }
0x1da: {  	s0 =	sand.u32 @!p0 $0xFFFFF80, s0  }
0x1db: {  	v20 =	vadd.f32 v21, v20;
	s3 =	simm.s32 @!p0 $0xE700;
	s0 =	sadd.s32 @!p0 s2, s0  }
0x1dc: {  	[tilespmem:s3], [sflag:$0xF] =	stream.strided.gather @!p0 [hbm4b:s0+s23], $0x1000, s24, s23, $0x38;
	[tilespmem:$0x10700] =	vst v63  }
0x1dd: {  	s12 =	simm.s32 $0x8;
	[tilespmem:$0x4E0] =	vst v20  }
0x1de: {  	s13 =	rddreg [dreg:$0xb];
	_ =	swait.ge [sflag:s12], $0x1000  }
0x1df: {  	[sflag:s12] =	ssyncset.done $0x0  }
0x1e0: {  	s9 =	simm.s32 $0x10;
	[sflag:s12] =	ssyncadd.s32 $0xFFFFF000  }
0x1e1: {  	_ =	swait.ge [sflag:s9], $0x1000  }
0x1e2: {  	(v2sf) =	vpush @!p0 v18, $0x7;
	_ =	sdelay $0x3  }
0x1e3: {  	(v2sf) =	vpush @!p0 v19, $0x7  }
0x1e4: {  	s12 =	sand.u32 $0x7F, s8  }
0x1e5: {  	v52 =	vor.u32 s12, v0  }
0x1e6: {  	s11 =	sand.u32 $0x7F, s7;
	v53 =	vor.u32 s12, v2  }
0x1e7: {  	s8 =	simm.s32 $0x10;
	v18 =	vor.u32 s11, v0  }
0x1e8: {  	[sflag:s8] =	ssyncset.done $0x0;
	v19 =	vor.u32 s11, v2  }
0x1e9: {  	[sflag:s8] =	ssyncadd.s32 $0xFFFFF000  }
0x1ea: {  	v20 =	vld.idx.msk [tilespmem:v52+s17+$0x0], $0xffff  }
0x1eb: {  	s19 =	simm.s32 $0x7700;
	v21 =	vld.idx.msk [tilespmem:v53+s17+$0x0], $0xffff  }
0x1ec: {  	v18 =	vld.idx.msk [tilespmem:v18+s19+$0x0], $0xffff  }
0x1ed: {  	v19 =	vld.idx.msk [tilespmem:v19+s19+$0x0], $0xffff  }
0x1ee: {  	s0 =	spop @!p0 (v2sf)  }
0x1ef: {  	s0 =	sand.u32 @!p0 $0xFFFFF80, s0  }
0x1f0: {  	s3 =	simm.s32 @!p0 $0x7700;
	s0 =	sadd.s32 @!p0 s1, s0  }
0x1f1: {  	[tilespmem:s3], [sflag:$0x8] =	stream.strided.gather @!p0 [hbm4b:s0+s23], $0x1000, s24, s23, $0x38;
	[tilespmem:$0x10700] =	vst v63  }
0x1f2: {  	v18 =	vmul.f32 v20, v18;
	v19 =	vmul.f32 v21, v19;
	s0 =	spop @!p0 (v2sf)  }
0x1f3: {  	s0 =	sand.u32 @!p0 $0xFFFFF80, s0  }
0x1f4: {  	v18 =	vadd.f32 v19, v18;
	s3 =	simm.s32 @!p0 $0xF700;
	s0 =	sadd.s32 @!p0 s2, s0  }
0x1f5: {  	[tilespmem:s3], [sflag:$0x10] =	stream.strided.gather @!p0 [hbm4b:s0+s23], $0x1000, s24, s23, $0x38;
	[tilespmem:$0x10700] =	vst v63  }
0x1f6: {  	[tilespmem:$0x4F0] =	vst v18  }
0x1f7: {  	v18 =	vld.idx.msk [tilespmem:v1+s10+$0x0], $0xffff;
	_ =	sdelay $0x1  }
0x1f8: {  	v19 =	vld.idx.msk [tilespmem:v3+s10+$0x0], $0xffff;
	_ =	sdelay $0x1  }
0x1f9: {  	v54 =	vld.idx.msk [tilespmem:v4+s10+$0x0], $0xffff  }
0x1fa: {  	v18 =	vadd.f32 $0.0e+00, v18  }
0x1fb: {  	v55 =	vld.idx.msk [tilespmem:v5+s10+$0x0], $0xffff  }
0x1fc: {  	v18 =	vadd.f32 v19, v18  }
0x1fd: {  	v19 =	vld.idx.msk [tilespmem:v6+s10+$0x0], $0xffff  }
0x1fe: {  	v18 =	vadd.f32 v54, v18  }
0x1ff: {  	v56 =	vld.idx.msk [tilespmem:v7+s10+$0x0], $0xffff  }
0x200: {  	v18 =	vadd.f32 v55, v18  }
0x201: {  	v57 =	vld.idx.msk [tilespmem:v8+s10+$0x0], $0xffff  }
0x202: {  	v18 =	vadd.f32 v19, v18  }
0x203: {  	v19 =	vld.idx.msk [tilespmem:v9+s10+$0x0], $0xffff  }
0x204: {  	v18 =	vadd.f32 v56, v18  }
0x205: {  	v58 =	vld.idx.msk [tilespmem:v10+s10+$0x0], $0xffff  }
0x206: {  	v18 =	vadd.f32 v57, v18  }
0x207: {  	v59 =	vld.idx.msk [tilespmem:v11+s10+$0x0], $0xffff  }
0x208: {  	v18 =	vadd.f32 v19, v18  }
0x209: {  	v19 =	vld.idx.msk [tilespmem:v12+s10+$0x0], $0xffff  }
0x20a: {  	v18 =	vadd.f32 v58, v18  }
0x20b: {  	v60 =	vld.idx.msk [tilespmem:v13+s10+$0x0], $0xffff  }
0x20c: {  	v18 =	vadd.f32 v59, v18  }
0x20d: {  	v61 =	vld.idx.msk [tilespmem:v14+s10+$0x0], $0xffff  }
0x20e: {  	v18 =	vadd.f32 v19, v18  }
0x20f: {  	v19 =	vld.idx.msk [tilespmem:v15+s10+$0x0], $0xffff  }
0x210: {  	v18 =	vadd.f32 v60, v18  }
0x211: {  	v62 =	vld.idx.msk [tilespmem:v16+s10+$0x0], $0xffff  }
0x212: {  	v18 =	vadd.f32 v61, v18  }
0x213: {  	v63 =	vld.idx.msk [tilespmem:v17+s10+$0x0], $0xffff  }
0x214: {  	s18 =	sadd.s32 $0x1, s18;
	v18 =	vadd.f32 v19, v18  }
0x215: {  	p0 =	seq.s32 s18, $0x0  }
.Ltmp0:
0x216: {  	v18 =	vadd.f32 v62, v18;
	(pc) =	sbr.rel @!p0 .LBB2_2-.Ltmp0, $4  }
0x217: {  	_ = 	snop  }
0x218: {  	s20 =	rddreg [dreg:$0xd];
	v18 =	vadd.f32 v63, v18  }
0x219: {  	s13 =	sadd.s32 $0x10, s13;
	s12 =	simm.s32 $0x9;
	s24 =	rddreg [dreg:$0xc]  }
0x21a: {  	s23 =	simm.s32 $0x1;
	s3 =	sadd.s32 $0x10, s20;
	s0 =	sadd.s32 $0x10, s24;
	[tilespmem:s24+$0x0] =	vst v18  }
0x21b: {  	s9 =	simm.s32 $0x0;
	s0 =	rddreg [dreg:$0x8];
	s3 =	simm.s32 $0x500  }
0x21c: {  	[hbm4b:s0+s9] =	stream.linear.scatter [tilespmem:s3], [sflag:$0x11], $0x200, $0x38;
	[tilespmem:$0x10700] =	vst v63  }
0x21d: {  	s3 =	simm.s32 $0x11  }
0x21e: {  	_ =	swait.ge [sflag:s3], $0x200  }
0x21f: {  	s13 =	rddreg [dreg:$0xa]  }
0x220: {  	s24 =	rddreg [dreg:$0x9];
	s13 =	sadd.s32 $0x1, s13  }
0x221: {  	p0 =	sne.s32 s13, s24  }
.Ltmp1:
0x222: {  	_ = 	snop;
	(pc) =	sbr.rel @p0 .LBB2_1-.Ltmp1, $4  }
0x223: {  	s4 =	simm.s32 $0x700;
	s5 =	simm.s32 $0x8700  }
0x224: {  	s6 =	simm.s32 $0x5700;
	s7 =	simm.s32 $0xD700;
	s8 =	simm.s32 $0x6700  }
0x225: {  	s18 =	simm.s32 $0xE700;
	s19 =	simm.s32 $0x7700;
	[sflag:s3] =	ssyncset.done $0x0  }
0x226: {  	s20 =	simm.s32 $0xF700;
	s11 =	simm.s32 $0x7A1400;
	[sflag:s3] =	ssyncadd.s32 $0xFFFFFE00  }
0x227: {  	_ =	sfence.sel $0x180000  }
0x228: {  	[bflag:$0x0] =	sbarrier.arrive $0xFFFF  }
0x229: {  	_ =	strace $0x90000047  }
0x22a: {  	s0 =	stileid.u32;
	[bflag:$0x2] =	sbarrier.arrive $0xFFFF  }
0x22b: {  	p0 =	sne.s32 s0, $0x0;
	s0 =	rddreg [dreg:$0x5]  }
0x22c: {  	s0 =	sadd.s32 @!p0 $0x100000, s0  }
0x22d: {  	[sflag:s0] =	ssyncadd.tile.s32 @!p0 $0x1;
	_ =	shalt  }
.Lfunc_end2:
_tile_overlayer_lowered:
.L_overlay_start_2:
0x22e: {  	(tag) =	ssettag $0x2  }
0x22f: {  	s0 =	rddreg [dreg:$0x0];
	s2 =	stileid.u32  }
0x230: {  	s1 =	rddreg [dreg:$0x1];
	p0 =	sne.s32 s2, $0x0  }
0x231: {  	s3 =	rddreg [dreg:$0x2];
	[bflag:$0x3] =	sbarrier.arrive $0xFFFF;
	s2 =	simm.s32 @!p0 $0x1C11  }
0x232: {  	[timem:s3], [sflag:s2] =	dma.local @!p0 [hbm:s0], s1  }
0x233: {  	s0 =	simm.s32 @!p0 $0x11  }
0x234: {  	_ =	swait.ge @!p0 [sflag:s0], s1  }
0x235: {  	s1 =	ssub.s32 @!p0 $0x0, s1;
	[sflag:s0] =	ssyncset.done @!p0 $0x0  }
0x236: {  	[sflag:s0] =	ssyncadd.s32 @!p0 s1  }
0x237: {  	[bflag:$0x3] =	sbarrier.arrive $0xFFFF  }
0x238: {  	_ =	shalt  }

</sc_bundles>
